<compile_context>
chip_gen: v7x
topology: tpu7x:2x2x1
jax: 0.10.2.dev20260603
libtpu: 0.0.44.dev20260713+nightly
codegen_flags: <defaults>
</compile_context>

<pallas_src>
import functools

import jax
import jax.numpy as jnp
from jax import lax
from jax.experimental import pallas as pl
from jax.experimental.pallas import tpu as pltpu
from jax.experimental.pallas import tpu_sc as plsc

_D = 64


@functools.partial(jax.jit, static_argnums=(2,))
def _gather_rows(idx, table, B):
    info = plsc.get_sparse_core_info()
    nw = info.num_cores * info.num_subcores
    chunk = 256
    nbuf = 4
    b_per_w = B // nw
    n_chunks = b_per_w // chunk
    n_outer = n_chunks // nbuf
    mesh = plsc.VectorSubcoreMesh(core_axis_name="c", subcore_axis_name="s")

    @functools.partial(
        pl.kernel,
        mesh=mesh,
        out_type=jax.ShapeDtypeStruct((B, _D), jnp.float32),
        scratch_types=[
            pltpu.VMEM((b_per_w,), jnp.int32),
            pltpu.VMEM((nbuf, chunk, _D), jnp.float32),
            pltpu.SemaphoreType.DMA((nbuf,)),
            pltpu.SemaphoreType.DMA((nbuf,)),
        ],
        compiler_params=pltpu.CompilerParams(use_tc_tiling_on_sc=False),
    )
    def k(idx_hbm, table_hbm, out_hbm, idx_v, rows_v, gsem, wsem):
        wid = lax.axis_index("s") * info.num_cores + lax.axis_index("c")
        base = wid * b_per_w
        pltpu.sync_copy(idx_hbm.at[pl.ds(base, b_per_w)], idx_v)

        def start_gather(i, b):
            pltpu.async_copy(
                table_hbm.at[idx_v.at[pl.ds(i * chunk, chunk)]],
                rows_v.at[b],
                gsem.at[b],
            )

        def wait_gather(i, b):
            pltpu.make_async_copy(
                table_hbm.at[idx_v.at[pl.ds(i * chunk, chunk)]],
                rows_v.at[b],
                gsem.at[b],
            ).wait()

        def start_write(i, b):
            pltpu.async_copy(
                rows_v.at[b],
                out_hbm.at[pl.ds(base + i * chunk, chunk)],
                wsem.at[b],
            )

        def wait_write(i, b):
            pltpu.make_async_copy(
                rows_v.at[b],
                out_hbm.at[pl.ds(base + i * chunk, chunk)],
                wsem.at[b],
            ).wait()

        for b in range(nbuf):
            start_gather(b, b)

        def body(o, carry):
            i0 = o * nbuf
            for b in range(nbuf):
                wait_gather(i0 + b, b)
                start_write(i0 + b, b)
            for b in range(nbuf):
                wait_write(i0 + b, b)
                start_gather(i0 + nbuf + b, b)
            return carry

        lax.fori_loop(0, n_outer - 1, body, 0, unroll=False)

        i0 = (n_outer - 1) * nbuf
        for b in range(nbuf):
            wait_gather(i0 + b, b)
            start_write(i0 + b, b)
        for b in range(nbuf):
            wait_write(i0 + b, b)

    return k(idx, table)


def kernel(token_ids, weight):
    s0, s1 = token_ids.shape
    b = s0 * s1
    idx = token_ids.reshape(b).astype(jnp.int32)
    out = _gather_rows(idx, weight, b)
    return out.reshape(s0, s1, _D)

# --- scband reference (transcript-rebuilt; emitter-appended) ---
"""Pipeline reference for scband-embedding-76871324663988 (READ-ONLY COPY).

The authoritative reference and input builder live on the scoring server;
editing this copy changes nothing except your own understanding.
"""

import jax, jax.numpy as jnp
import numpy as np

NUM_EMBEDDINGS = 1000000
EMBEDDING_DIM = 64

def setup_inputs(seed: int = 0) -> dict:
    key = jax.random.key(seed)
    k_idx, k_w = jax.random.split(key)
    token_ids = jax.random.randint(k_idx, (16384, 50), 0, NUM_EMBEDDINGS, dtype=jnp.int64 if jax.config.jax_enable_x64 else jnp.int32)
    std = 1.0 / (EMBEDDING_DIM ** 0.5)
    # truncated normal in [-3*std, 3*std] with std ~ std
    weight = jax.random.truncated_normal(k_w, -3.0, 3.0, (NUM_EMBEDDINGS, EMBEDDING_DIM), dtype=jnp.float32) * std
    return {"token_ids": token_ids, "weight": weight}

def reference(token_ids, weight):
    # Faithful to torch: weight[token_ids] -> gather rows
    return jnp.take(weight, token_ids, axis=0)

if __name__ == "__main__":
    import jax
    _d = setup_inputs()
    print(jax.jit(kernel)(*tuple(_d.values())))

</pallas_src>

<mosaic_0001>
#map = affine_map<(d0, d1) -> (0)>
#map1 = affine_map<(d0, d1) -> (0, 0)>
module attributes {stable_mosaic.version = 14 : i64} {
  func.func @k(%arg0: i32, %arg1: i32, %arg2: memref<819200xi32, #tpu.memory_space<hbm>>, %arg3: memref<1000000x64xf32, #tpu.memory_space<hbm>>, %arg4: memref<819200x64xf32, #tpu.memory_space<hbm>>, %arg5: memref<25600xi32, #tpu.memory_space<vmem>>, %arg6: memref<4x256x64xf32, #tpu.memory_space<vmem>>, %arg7: memref<4x!tpu.dma_semaphore, #tpu.memory_space<semaphore_mem>>, %arg8: memref<4x!tpu.dma_semaphore, #tpu.memory_space<semaphore_mem>>) attributes {dimension_semantics = [#tpu.dimension_semantics<core_parallel>, #tpu.dimension_semantics<subcore_parallel>], iteration_bounds = array<i64: 2, 16>, scalar_prefetch = 0 : i64, scratch_operands = 4 : i64, tpu.core_type = #tpu.core_type<sc_vector_subcore>, window_params = [{transform_indices = #map}, {transform_indices = #map1}, {transform_indices = #map1}]} {
    %mul3A = arith.constant 2 : i32
    %mul3A_0 = arith.muli %arg1, %mul3A : i32
    %add3A = arith.addi %mul3A_0, %arg0 : i32
    %mul3A_1 = arith.constant 25600 : i32
    %mul3A_2 = arith.muli %add3A, %mul3A_1 : i32
    "tpu.region"() ({
      %run_scoped3A = tpu.sem_alloc : memref<!tpu.dma_semaphore, #tpu.memory_space<semaphore_mem>>
      %dma_start3A_254 = tpu.memref_slice %arg2[%mul3A_2] : memref<819200xi32, #tpu.memory_space<hbm>> -> memref<25600xi32, #tpu.memory_space<hbm>>
      %dma_start3A_255 = tpu.memref_slice %arg2[%mul3A_2] : memref<819200xi32, #tpu.memory_space<hbm>> -> memref<25600xi32, #tpu.memory_space<hbm>>
      tpu.enqueue_dma source(%dma_start3A_255 : memref<25600xi32, #tpu.memory_space<hbm>>) target(%arg5 : memref<25600xi32, #tpu.memory_space<vmem>>) target_semaphore(%run_scoped3A : memref<!tpu.dma_semaphore, #tpu.memory_space<semaphore_mem>>)
      %dma_wait3A_256 = tpu.memref_slice %arg2[%mul3A_2] : memref<819200xi32, #tpu.memory_space<hbm>> -> memref<25600xi32, #tpu.memory_space<hbm>>
      %dma_wait3A_257 = tpu.memref_slice %arg2[%mul3A_2] : memref<819200xi32, #tpu.memory_space<hbm>> -> memref<25600xi32, #tpu.memory_space<hbm>>
      tpu.wait_dma2 semaphore(%run_scoped3A : memref<!tpu.dma_semaphore, #tpu.memory_space<semaphore_mem>>) src(%dma_wait3A_257 : memref<25600xi32, #tpu.memory_space<hbm>>) dst(%arg5 : memref<25600xi32, #tpu.memory_space<vmem>>)
      tpu.yield
    }) : () -> ()
    %dma_start3A = arith.constant 0 : i32
    %dma_start3A_3 = arith.constant 0 : i32
    %dma_start3A_4 = arith.constant 0 : i32
    %dma_start3A_5 = arith.constant 0 : i32
    %dma_start3A_6 = tpu.memref_slice %arg6[%dma_start3A, %dma_start3A_4, %dma_start3A_5] : memref<4x256x64xf32, #tpu.memory_space<vmem>> -> memref<1x256x64xf32, #tpu.memory_space<vmem>>
    %dma_start3A_7 = tpu.memref_squeeze %dma_start3A_6 : memref<1x256x64xf32, #tpu.memory_space<vmem>> -> memref<256x64xf32, #tpu.memory_space<vmem>>
    %dma_start3A_8 = arith.constant 0 : i32
    %dma_start3A_9 = tpu.memref_slice %arg5[%dma_start3A_8] : memref<25600xi32, #tpu.memory_space<vmem>> -> memref<256xi32, #tpu.memory_space<vmem>>
    %dma_start3A_10 = arith.constant 0 : i32
    %dma_start3A_11 = arith.constant 0 : i32
    %dma_start3A_12 = tpu.memref_slice %arg3[%dma_start3A_10, %dma_start3A_11] : memref<1000000x64xf32, #tpu.memory_space<hbm>> -> memref<1000000x64xf32, #tpu.memory_space<hbm>>
    %dma_start3A_13 = tpu.memref_slice %arg7[%dma_start3A_3] : memref<4x!tpu.dma_semaphore, #tpu.memory_space<semaphore_mem>> -> memref<1x!tpu.dma_semaphore, #tpu.memory_space<semaphore_mem>>
    %dma_start3A_14 = tpu.memref_squeeze %dma_start3A_13 : memref<1x!tpu.dma_semaphore, #tpu.memory_space<semaphore_mem>> -> memref<!tpu.dma_semaphore, #tpu.memory_space<semaphore_mem>>
    tpu.enqueue_indirect_dma source(%dma_start3A_12 : memref<1000000x64xf32, #tpu.memory_space<hbm>>) target(%dma_start3A_7 : memref<256x64xf32, #tpu.memory_space<vmem>>) offsets(%dma_start3A_9 : memref<256xi32, #tpu.memory_space<vmem>>) semaphore(%dma_start3A_14 : memref<!tpu.dma_semaphore, #tpu.memory_space<semaphore_mem>>)
    %dma_start3A_15 = arith.constant 1 : i32
    %dma_start3A_16 = arith.constant 1 : i32
    %dma_start3A_17 = arith.constant 0 : i32
    %dma_start3A_18 = arith.constant 0 : i32
    %dma_start3A_19 = tpu.memref_slice %arg6[%dma_start3A_15, %dma_start3A_17, %dma_start3A_18] : memref<4x256x64xf32, #tpu.memory_space<vmem>> -> memref<1x256x64xf32, #tpu.memory_space<vmem>>
    %dma_start3A_20 = tpu.memref_squeeze %dma_start3A_19 : memref<1x256x64xf32, #tpu.memory_space<vmem>> -> memref<256x64xf32, #tpu.memory_space<vmem>>
    %dma_start3A_21 = arith.constant 256 : i32
    %dma_start3A_22 = tpu.memref_slice %arg5[%dma_start3A_21] : memref<25600xi32, #tpu.memory_space<vmem>> -> memref<256xi32, #tpu.memory_space<vmem>>
    %dma_start3A_23 = arith.constant 0 : i32
    %dma_start3A_24 = arith.constant 0 : i32
    %dma_start3A_25 = tpu.memref_slice %arg3[%dma_start3A_23, %dma_start3A_24] : memref<1000000x64xf32, #tpu.memory_space<hbm>> -> memref<1000000x64xf32, #tpu.memory_space<hbm>>
    %dma_start3A_26 = tpu.memref_slice %arg7[%dma_start3A_16] : memref<4x!tpu.dma_semaphore, #tpu.memory_space<semaphore_mem>> -> memref<1x!tpu.dma_semaphore, #tpu.memory_space<semaphore_mem>>
    %dma_start3A_27 = tpu.memref_squeeze %dma_start3A_26 : memref<1x!tpu.dma_semaphore, #tpu.memory_space<semaphore_mem>> -> memref<!tpu.dma_semaphore, #tpu.memory_space<semaphore_mem>>
    tpu.enqueue_indirect_dma source(%dma_start3A_25 : memref<1000000x64xf32, #tpu.memory_space<hbm>>) target(%dma_start3A_20 : memref<256x64xf32, #tpu.memory_space<vmem>>) offsets(%dma_start3A_22 : memref<256xi32, #tpu.memory_space<vmem>>) semaphore(%dma_start3A_27 : memref<!tpu.dma_semaphore, #tpu.memory_space<semaphore_mem>>)
    %dma_start3A_28 = arith.constant 2 : i32
    %dma_start3A_29 = arith.constant 2 : i32
    %dma_start3A_30 = arith.constant 0 : i32
    %dma_start3A_31 = arith.constant 0 : i32
    %dma_start3A_32 = tpu.memref_slice %arg6[%dma_start3A_28, %dma_start3A_30, %dma_start3A_31] : memref<4x256x64xf32, #tpu.memory_space<vmem>> -> memref<1x256x64xf32, #tpu.memory_space<vmem>>
    %dma_start3A_33 = tpu.memref_squeeze %dma_start3A_32 : memref<1x256x64xf32, #tpu.memory_space<vmem>> -> memref<256x64xf32, #tpu.memory_space<vmem>>
    %dma_start3A_34 = arith.constant 512 : i32
    %dma_start3A_35 = tpu.memref_slice %arg5[%dma_start3A_34] : memref<25600xi32, #tpu.memory_space<vmem>> -> memref<256xi32, #tpu.memory_space<vmem>>
    %dma_start3A_36 = arith.constant 0 : i32
    %dma_start3A_37 = arith.constant 0 : i32
    %dma_start3A_38 = tpu.memref_slice %arg3[%dma_start3A_36, %dma_start3A_37] : memref<1000000x64xf32, #tpu.memory_space<hbm>> -> memref<1000000x64xf32, #tpu.memory_space<hbm>>
    %dma_start3A_39 = tpu.memref_slice %arg7[%dma_start3A_29] : memref<4x!tpu.dma_semaphore, #tpu.memory_space<semaphore_mem>> -> memref<1x!tpu.dma_semaphore, #tpu.memory_space<semaphore_mem>>
    %dma_start3A_40 = tpu.memref_squeeze %dma_start3A_39 : memref<1x!tpu.dma_semaphore, #tpu.memory_space<semaphore_mem>> -> memref<!tpu.dma_semaphore, #tpu.memory_space<semaphore_mem>>
    tpu.enqueue_indirect_dma source(%dma_start3A_38 : memref<1000000x64xf32, #tpu.memory_space<hbm>>) target(%dma_start3A_33 : memref<256x64xf32, #tpu.memory_space<vmem>>) offsets(%dma_start3A_35 : memref<256xi32, #tpu.memory_space<vmem>>) semaphore(%dma_start3A_40 : memref<!tpu.dma_semaphore, #tpu.memory_space<semaphore_mem>>)
    %dma_start3A_41 = arith.constant 3 : i32
    %dma_start3A_42 = arith.constant 3 : i32
    %dma_start3A_43 = arith.constant 0 : i32
    %dma_start3A_44 = arith.constant 0 : i32
    %dma_start3A_45 = tpu.memref_slice %arg6[%dma_start3A_41, %dma_start3A_43, %dma_start3A_44] : memref<4x256x64xf32, #tpu.memory_space<vmem>> -> memref<1x256x64xf32, #tpu.memory_space<vmem>>
    %dma_start3A_46 = tpu.memref_squeeze %dma_start3A_45 : memref<1x256x64xf32, #tpu.memory_space<vmem>> -> memref<256x64xf32, #tpu.memory_space<vmem>>
    %dma_start3A_47 = arith.constant 768 : i32
    %dma_start3A_48 = tpu.memref_slice %arg5[%dma_start3A_47] : memref<25600xi32, #tpu.memory_space<vmem>> -> memref<256xi32, #tpu.memory_space<vmem>>
    %dma_start3A_49 = arith.constant 0 : i32
    %dma_start3A_50 = arith.constant 0 : i32
    %dma_start3A_51 = tpu.memref_slice %arg3[%dma_start3A_49, %dma_start3A_50] : memref<1000000x64xf32, #tpu.memory_space<hbm>> -> memref<1000000x64xf32, #tpu.memory_space<hbm>>
    %dma_start3A_52 = tpu.memref_slice %arg7[%dma_start3A_42] : memref<4x!tpu.dma_semaphore, #tpu.memory_space<semaphore_mem>> -> memref<1x!tpu.dma_semaphore, #tpu.memory_space<semaphore_mem>>
    %dma_start3A_53 = tpu.memref_squeeze %dma_start3A_52 : memref<1x!tpu.dma_semaphore, #tpu.memory_space<semaphore_mem>> -> memref<!tpu.dma_semaphore, #tpu.memory_space<semaphore_mem>>
    tpu.enqueue_indirect_dma source(%dma_start3A_51 : memref<1000000x64xf32, #tpu.memory_space<hbm>>) target(%dma_start3A_46 : memref<256x64xf32, #tpu.memory_space<vmem>>) offsets(%dma_start3A_48 : memref<256xi32, #tpu.memory_space<vmem>>) semaphore(%dma_start3A_53 : memref<!tpu.dma_semaphore, #tpu.memory_space<semaphore_mem>>)
    %scan3A = arith.constant 0 : i32
    %scan3A_54 = arith.constant 0 : i32
    %scan3A_55 = arith.constant 24 : i32
    %scan3A_56 = arith.addi %scan3A_54, %scan3A_55 : i32
    %scan3A_57 = arith.constant 1 : i32
    scf.for %scan3A_254 = %scan3A_54 to %scan3A_56 step %scan3A_57  : i32 {
      %mul3A_255 = arith.constant 4 : i32
      %mul3A_256 = arith.muli %scan3A_254, %mul3A_255 : i32
      %add3A_257 = arith.constant 0 : i32
      %add3A_258 = arith.addi %mul3A_256, %add3A_257 : i32
      %mul3A_259 = arith.constant 256 : i32
      %mul3A_260 = arith.muli %add3A_258, %mul3A_259 : i32
      %dma_wait3A_261 = arith.constant 0 : i32
      %dma_wait3A_262 = arith.constant 0 : i32
      %dma_wait3A_263 = arith.constant 0 : i32
      %dma_wait3A_264 = arith.constant 0 : i32
      %dma_wait3A_265 = tpu.memref_slice %arg6[%dma_wait3A_261, %dma_wait3A_263, %dma_wait3A_264] : memref<4x256x64xf32, #tpu.memory_space<vmem>> -> memref<1x256x64xf32, #tpu.memory_space<vmem>>
      %dma_wait3A_266 = tpu.memref_squeeze %dma_wait3A_265 : memref<1x256x64xf32, #tpu.memory_space<vmem>> -> memref<256x64xf32, #tpu.memory_space<vmem>>
      %dma_wait3A_267 = tpu.memref_slice %arg5[%mul3A_260] : memref<25600xi32, #tpu.memory_space<vmem>> -> memref<256xi32, #tpu.memory_space<vmem>>
      %dma_wait3A_268 = arith.constant 0 : i32
      %dma_wait3A_269 = arith.constant 0 : i32
      %dma_wait3A_270 = tpu.memref_slice %arg3[%dma_wait3A_268, %dma_wait3A_269] : memref<1000000x64xf32, #tpu.memory_space<hbm>> -> memref<1000000x64xf32, #tpu.memory_space<hbm>>
      %dma_wait3A_271 = tpu.memref_slice %arg7[%dma_wait3A_262] : memref<4x!tpu.dma_semaphore, #tpu.memory_space<semaphore_mem>> -> memref<1x!tpu.dma_semaphore, #tpu.memory_space<semaphore_mem>>
      %dma_wait3A_272 = tpu.memref_squeeze %dma_wait3A_271 : memref<1x!tpu.dma_semaphore, #tpu.memory_space<semaphore_mem>> -> memref<!tpu.dma_semaphore, #tpu.memory_space<semaphore_mem>>
      tpu.wait_indirect_dma semaphore(%dma_wait3A_272 : memref<!tpu.dma_semaphore, #tpu.memory_space<semaphore_mem>>) src(%dma_wait3A_270 : memref<1000000x64xf32, #tpu.memory_space<hbm>>) dst(%dma_wait3A_266 : memref<256x64xf32, #tpu.memory_space<vmem>>)
      %add3A_273 = arith.constant 0 : i32
      %add3A_274 = arith.addi %mul3A_256, %add3A_273 : i32
      %mul3A_275 = arith.constant 256 : i32
      %mul3A_276 = arith.muli %add3A_274, %mul3A_275 : i32
      %add3A_277 = arith.addi %mul3A_2, %mul3A_276 : i32
      %dma_start3A_278 = arith.constant 0 : i32
      %dma_start3A_279 = arith.constant 0 : i32
      %dma_start3A_280 = arith.constant 0 : i32
      %dma_start3A_281 = arith.constant 0 : i32
      %dma_start3A_282 = tpu.memref_slice %arg6[%dma_start3A_278, %dma_start3A_280, %dma_start3A_281] : memref<4x256x64xf32, #tpu.memory_space<vmem>> -> memref<1x256x64xf32, #tpu.memory_space<vmem>>
      %dma_start3A_283 = tpu.memref_squeeze %dma_start3A_282 : memref<1x256x64xf32, #tpu.memory_space<vmem>> -> memref<256x64xf32, #tpu.memory_space<vmem>>
      %dma_start3A_284 = arith.constant 0 : i32
      %dma_start3A_285 = tpu.memref_slice %arg4[%add3A_277, %dma_start3A_284] : memref<819200x64xf32, #tpu.memory_space<hbm>> -> memref<256x64xf32, #tpu.memory_space<hbm>>
      %dma_start3A_286 = tpu.memref_slice %arg8[%dma_start3A_279] : memref<4x!tpu.dma_semaphore, #tpu.memory_space<semaphore_mem>> -> memref<1x!tpu.dma_semaphore, #tpu.memory_space<semaphore_mem>>
      %dma_start3A_287 = tpu.memref_squeeze %dma_start3A_286 : memref<1x!tpu.dma_semaphore, #tpu.memory_space<semaphore_mem>> -> memref<!tpu.dma_semaphore, #tpu.memory_space<semaphore_mem>>
      %dma_start3A_288 = arith.constant 0 : i32
      %dma_start3A_289 = tpu.memref_slice %arg4[%add3A_277, %dma_start3A_288] : memref<819200x64xf32, #tpu.memory_space<hbm>> -> memref<256x64xf32, #tpu.memory_space<hbm>>
      %dma_start3A_290 = arith.constant 0 : i32
      %dma_start3A_291 = arith.constant 0 : i32
      %dma_start3A_292 = tpu.memref_slice %arg6[%dma_start3A_278, %dma_start3A_290, %dma_start3A_291] : memref<4x256x64xf32, #tpu.memory_space<vmem>> -> memref<1x256x64xf32, #tpu.memory_space<vmem>>
      %dma_start3A_293 = tpu.memref_squeeze %dma_start3A_292 : memref<1x256x64xf32, #tpu.memory_space<vmem>> -> memref<256x64xf32, #tpu.memory_space<vmem>>
      tpu.enqueue_dma source(%dma_start3A_293 : memref<256x64xf32, #tpu.memory_space<vmem>>) target(%dma_start3A_289 : memref<256x64xf32, #tpu.memory_space<hbm>>) target_semaphore(%dma_start3A_287 : memref<!tpu.dma_semaphore, #tpu.memory_space<semaphore_mem>>)
      %add3A_294 = arith.constant 1 : i32
      %add3A_295 = arith.addi %mul3A_256, %add3A_294 : i32
      %mul3A_296 = arith.constant 256 : i32
      %mul3A_297 = arith.muli %add3A_295, %mul3A_296 : i32
      %dma_wait3A_298 = arith.constant 1 : i32
      %dma_wait3A_299 = arith.constant 1 : i32
      %dma_wait3A_300 = arith.constant 0 : i32
      %dma_wait3A_301 = arith.constant 0 : i32
      %dma_wait3A_302 = tpu.memref_slice %arg6[%dma_wait3A_298, %dma_wait3A_300, %dma_wait3A_301] : memref<4x256x64xf32, #tpu.memory_space<vmem>> -> memref<1x256x64xf32, #tpu.memory_space<vmem>>
      %dma_wait3A_303 = tpu.memref_squeeze %dma_wait3A_302 : memref<1x256x64xf32, #tpu.memory_space<vmem>> -> memref<256x64xf32, #tpu.memory_space<vmem>>
      %dma_wait3A_304 = tpu.memref_slice %arg5[%mul3A_297] : memref<25600xi32, #tpu.memory_space<vmem>> -> memref<256xi32, #tpu.memory_space<vmem>>
      %dma_wait3A_305 = arith.constant 0 : i32
      %dma_wait3A_306 = arith.constant 0 : i32
      %dma_wait3A_307 = tpu.memref_slice %arg3[%dma_wait3A_305, %dma_wait3A_306] : memref<1000000x64xf32, #tpu.memory_space<hbm>> -> memref<1000000x64xf32, #tpu.memory_space<hbm>>
      %dma_wait3A_308 = tpu.memref_slice %arg7[%dma_wait3A_299] : memref<4x!tpu.dma_semaphore, #tpu.memory_space<semaphore_mem>> -> memref<1x!tpu.dma_semaphore, #tpu.memory_space<semaphore_mem>>
      %dma_wait3A_309 = tpu.memref_squeeze %dma_wait3A_308 : memref<1x!tpu.dma_semaphore, #tpu.memory_space<semaphore_mem>> -> memref<!tpu.dma_semaphore, #tpu.memory_space<semaphore_mem>>
      tpu.wait_indirect_dma semaphore(%dma_wait3A_309 : memref<!tpu.dma_semaphore, #tpu.memory_space<semaphore_mem>>) src(%dma_wait3A_307 : memref<1000000x64xf32, #tpu.memory_space<hbm>>) dst(%dma_wait3A_303 : memref<256x64xf32, #tpu.memory_space<vmem>>)
      %add3A_310 = arith.constant 1 : i32
      %add3A_311 = arith.addi %mul3A_256, %add3A_310 : i32
      %mul3A_312 = arith.constant 256 : i32
      %mul3A_313 = arith.muli %add3A_311, %mul3A_312 : i32
      %add3A_314 = arith.addi %mul3A_2, %mul3A_313 : i32
      %dma_start3A_315 = arith.constant 1 : i32
      %dma_start3A_316 = arith.constant 1 : i32
      %dma_start3A_317 = arith.constant 0 : i32
      %dma_start3A_318 = arith.constant 0 : i32
      %dma_start3A_319 = tpu.memref_slice %arg6[%dma_start3A_315, %dma_start3A_317, %dma_start3A_318] : memref<4x256x64xf32, #tpu.memory_space<vmem>> -> memref<1x256x64xf32, #tpu.memory_space<vmem>>
      %dma_start3A_320 = tpu.memref_squeeze %dma_start3A_319 : memref<1x256x64xf32, #tpu.memory_space<vmem>> -> memref<256x64xf32, #tpu.memory_space<vmem>>
      %dma_start3A_321 = arith.constant 0 : i32
      %dma_start3A_322 = tpu.memref_slice %arg4[%add3A_314, %dma_start3A_321] : memref<819200x64xf32, #tpu.memory_space<hbm>> -> memref<256x64xf32, #tpu.memory_space<hbm>>
      %dma_start3A_323 = tpu.memref_slice %arg8[%dma_start3A_316] : memref<4x!tpu.dma_semaphore, #tpu.memory_space<semaphore_mem>> -> memref<1x!tpu.dma_semaphore, #tpu.memory_space<semaphore_mem>>
      %dma_start3A_324 = tpu.memref_squeeze %dma_start3A_323 : memref<1x!tpu.dma_semaphore, #tpu.memory_space<semaphore_mem>> -> memref<!tpu.dma_semaphore, #tpu.memory_space<semaphore_mem>>
      %dma_start3A_325 = arith.constant 0 : i32
      %dma_start3A_326 = tpu.memref_slice %arg4[%add3A_314, %dma_start3A_325] : memref<819200x64xf32, #tpu.memory_space<hbm>> -> memref<256x64xf32, #tpu.memory_space<hbm>>
      %dma_start3A_327 = arith.constant 0 : i32
      %dma_start3A_328 = arith.constant 0 : i32
      %dma_start3A_329 = tpu.memref_slice %arg6[%dma_start3A_315, %dma_start3A_327, %dma_start3A_328] : memref<4x256x64xf32, #tpu.memory_space<vmem>> -> memref<1x256x64xf32, #tpu.memory_space<vmem>>
      %dma_start3A_330 = tpu.memref_squeeze %dma_start3A_329 : memref<1x256x64xf32, #tpu.memory_space<vmem>> -> memref<256x64xf32, #tpu.memory_space<vmem>>
      tpu.enqueue_dma source(%dma_start3A_330 : memref<256x64xf32, #tpu.memory_space<vmem>>) target(%dma_start3A_326 : memref<256x64xf32, #tpu.memory_space<hbm>>) target_semaphore(%dma_start3A_324 : memref<!tpu.dma_semaphore, #tpu.memory_space<semaphore_mem>>)
      %add3A_331 = arith.constant 2 : i32
      %add3A_332 = arith.addi %mul3A_256, %add3A_331 : i32
      %mul3A_333 = arith.constant 256 : i32
      %mul3A_334 = arith.muli %add3A_332, %mul3A_333 : i32
      %dma_wait3A_335 = arith.constant 2 : i32
      %dma_wait3A_336 = arith.constant 2 : i32
      %dma_wait3A_337 = arith.constant 0 : i32
      %dma_wait3A_338 = arith.constant 0 : i32
      %dma_wait3A_339 = tpu.memref_slice %arg6[%dma_wait3A_335, %dma_wait3A_337, %dma_wait3A_338] : memref<4x256x64xf32, #tpu.memory_space<vmem>> -> memref<1x256x64xf32, #tpu.memory_space<vmem>>
      %dma_wait3A_340 = tpu.memref_squeeze %dma_wait3A_339 : memref<1x256x64xf32, #tpu.memory_space<vmem>> -> memref<256x64xf32, #tpu.memory_space<vmem>>
      %dma_wait3A_341 = tpu.memref_slice %arg5[%mul3A_334] : memref<25600xi32, #tpu.memory_space<vmem>> -> memref<256xi32, #tpu.memory_space<vmem>>
      %dma_wait3A_342 = arith.constant 0 : i32
      %dma_wait3A_343 = arith.constant 0 : i32
      %dma_wait3A_344 = tpu.memref_slice %arg3[%dma_wait3A_342, %dma_wait3A_343] : memref<1000000x64xf32, #tpu.memory_space<hbm>> -> memref<1000000x64xf32, #tpu.memory_space<hbm>>
      %dma_wait3A_345 = tpu.memref_slice %arg7[%dma_wait3A_336] : memref<4x!tpu.dma_semaphore, #tpu.memory_space<semaphore_mem>> -> memref<1x!tpu.dma_semaphore, #tpu.memory_space<semaphore_mem>>
      %dma_wait3A_346 = tpu.memref_squeeze %dma_wait3A_345 : memref<1x!tpu.dma_semaphore, #tpu.memory_space<semaphore_mem>> -> memref<!tpu.dma_semaphore, #tpu.memory_space<semaphore_mem>>
      tpu.wait_indirect_dma semaphore(%dma_wait3A_346 : memref<!tpu.dma_semaphore, #tpu.memory_space<semaphore_mem>>) src(%dma_wait3A_344 : memref<1000000x64xf32, #tpu.memory_space<hbm>>) dst(%dma_wait3A_340 : memref<256x64xf32, #tpu.memory_space<vmem>>)
      %add3A_347 = arith.constant 2 : i32
      %add3A_348 = arith.addi %mul3A_256, %add3A_347 : i32
      %mul3A_349 = arith.constant 256 : i32
      %mul3A_350 = arith.muli %add3A_348, %mul3A_349 : i32
      %add3A_351 = arith.addi %mul3A_2, %mul3A_350 : i32
      %dma_start3A_352 = arith.constant 2 : i32
      %dma_start3A_353 = arith.constant 2 : i32
      %dma_start3A_354 = arith.constant 0 : i32
      %dma_start3A_355 = arith.constant 0 : i32
      %dma_start3A_356 = tpu.memref_slice %arg6[%dma_start3A_352, %dma_start3A_354, %dma_start3A_355] : memref<4x256x64xf32, #tpu.memory_space<vmem>> -> memref<1x256x64xf32, #tpu.memory_space<vmem>>
      %dma_start3A_357 = tpu.memref_squeeze %dma_start3A_356 : memref<1x256x64xf32, #tpu.memory_space<vmem>> -> memref<256x64xf32, #tpu.memory_space<vmem>>
      %dma_start3A_358 = arith.constant 0 : i32
      %dma_start3A_359 = tpu.memref_slice %arg4[%add3A_351, %dma_start3A_358] : memref<819200x64xf32, #tpu.memory_space<hbm>> -> memref<256x64xf32, #tpu.memory_space<hbm>>
      %dma_start3A_360 = tpu.memref_slice %arg8[%dma_start3A_353] : memref<4x!tpu.dma_semaphore, #tpu.memory_space<semaphore_mem>> -> memref<1x!tpu.dma_semaphore, #tpu.memory_space<semaphore_mem>>
      %dma_start3A_361 = tpu.memref_squeeze %dma_start3A_360 : memref<1x!tpu.dma_semaphore, #tpu.memory_space<semaphore_mem>> -> memref<!tpu.dma_semaphore, #tpu.memory_space<semaphore_mem>>
      %dma_start3A_362 = arith.constant 0 : i32
      %dma_start3A_363 = tpu.memref_slice %arg4[%add3A_351, %dma_start3A_362] : memref<819200x64xf32, #tpu.memory_space<hbm>> -> memref<256x64xf32, #tpu.memory_space<hbm>>
      %dma_start3A_364 = arith.constant 0 : i32
      %dma_start3A_365 = arith.constant 0 : i32
      %dma_start3A_366 = tpu.memref_slice %arg6[%dma_start3A_352, %dma_start3A_364, %dma_start3A_365] : memref<4x256x64xf32, #tpu.memory_space<vmem>> -> memref<1x256x64xf32, #tpu.memory_space<vmem>>
      %dma_start3A_367 = tpu.memref_squeeze %dma_start3A_366 : memref<1x256x64xf32, #tpu.memory_space<vmem>> -> memref<256x64xf32, #tpu.memory_space<vmem>>
      tpu.enqueue_dma source(%dma_start3A_367 : memref<256x64xf32, #tpu.memory_space<vmem>>) target(%dma_start3A_363 : memref<256x64xf32, #tpu.memory_space<hbm>>) target_semaphore(%dma_start3A_361 : memref<!tpu.dma_semaphore, #tpu.memory_space<semaphore_mem>>)
      %add3A_368 = arith.constant 3 : i32
      %add3A_369 = arith.addi %mul3A_256, %add3A_368 : i32
      %mul3A_370 = arith.constant 256 : i32
      %mul3A_371 = arith.muli %add3A_369, %mul3A_370 : i32
      %dma_wait3A_372 = arith.constant 3 : i32
      %dma_wait3A_373 = arith.constant 3 : i32
      %dma_wait3A_374 = arith.constant 0 : i32
      %dma_wait3A_375 = arith.constant 0 : i32
      %dma_wait3A_376 = tpu.memref_slice %arg6[%dma_wait3A_372, %dma_wait3A_374, %dma_wait3A_375] : memref<4x256x64xf32, #tpu.memory_space<vmem>> -> memref<1x256x64xf32, #tpu.memory_space<vmem>>
      %dma_wait3A_377 = tpu.memref_squeeze %dma_wait3A_376 : memref<1x256x64xf32, #tpu.memory_space<vmem>> -> memref<256x64xf32, #tpu.memory_space<vmem>>
      %dma_wait3A_378 = tpu.memref_slice %arg5[%mul3A_371] : memref<25600xi32, #tpu.memory_space<vmem>> -> memref<256xi32, #tpu.memory_space<vmem>>
      %dma_wait3A_379 = arith.constant 0 : i32
      %dma_wait3A_380 = arith.constant 0 : i32
      %dma_wait3A_381 = tpu.memref_slice %arg3[%dma_wait3A_379, %dma_wait3A_380] : memref<1000000x64xf32, #tpu.memory_space<hbm>> -> memref<1000000x64xf32, #tpu.memory_space<hbm>>
      %dma_wait3A_382 = tpu.memref_slice %arg7[%dma_wait3A_373] : memref<4x!tpu.dma_semaphore, #tpu.memory_space<semaphore_mem>> -> memref<1x!tpu.dma_semaphore, #tpu.memory_space<semaphore_mem>>
      %dma_wait3A_383 = tpu.memref_squeeze %dma_wait3A_382 : memref<1x!tpu.dma_semaphore, #tpu.memory_space<semaphore_mem>> -> memref<!tpu.dma_semaphore, #tpu.memory_space<semaphore_mem>>
      tpu.wait_indirect_dma semaphore(%dma_wait3A_383 : memref<!tpu.dma_semaphore, #tpu.memory_space<semaphore_mem>>) src(%dma_wait3A_381 : memref<1000000x64xf32, #tpu.memory_space<hbm>>) dst(%dma_wait3A_377 : memref<256x64xf32, #tpu.memory_space<vmem>>)
      %add3A_384 = arith.constant 3 : i32
      %add3A_385 = arith.addi %mul3A_256, %add3A_384 : i32
      %mul3A_386 = arith.constant 256 : i32
      %mul3A_387 = arith.muli %add3A_385, %mul3A_386 : i32
      %add3A_388 = arith.addi %mul3A_2, %mul3A_387 : i32
      %dma_start3A_389 = arith.constant 3 : i32
      %dma_start3A_390 = arith.constant 3 : i32
      %dma_start3A_391 = arith.constant 0 : i32
      %dma_start3A_392 = arith.constant 0 : i32
      %dma_start3A_393 = tpu.memref_slice %arg6[%dma_start3A_389, %dma_start3A_391, %dma_start3A_392] : memref<4x256x64xf32, #tpu.memory_space<vmem>> -> memref<1x256x64xf32, #tpu.memory_space<vmem>>
      %dma_start3A_394 = tpu.memref_squeeze %dma_start3A_393 : memref<1x256x64xf32, #tpu.memory_space<vmem>> -> memref<256x64xf32, #tpu.memory_space<vmem>>
      %dma_start3A_395 = arith.constant 0 : i32
      %dma_start3A_396 = tpu.memref_slice %arg4[%add3A_388, %dma_start3A_395] : memref<819200x64xf32, #tpu.memory_space<hbm>> -> memref<256x64xf32, #tpu.memory_space<hbm>>
      %dma_start3A_397 = tpu.memref_slice %arg8[%dma_start3A_390] : memref<4x!tpu.dma_semaphore, #tpu.memory_space<semaphore_mem>> -> memref<1x!tpu.dma_semaphore, #tpu.memory_space<semaphore_mem>>
      %dma_start3A_398 = tpu.memref_squeeze %dma_start3A_397 : memref<1x!tpu.dma_semaphore, #tpu.memory_space<semaphore_mem>> -> memref<!tpu.dma_semaphore, #tpu.memory_space<semaphore_mem>>
      %dma_start3A_399 = arith.constant 0 : i32
      %dma_start3A_400 = tpu.memref_slice %arg4[%add3A_388, %dma_start3A_399] : memref<819200x64xf32, #tpu.memory_space<hbm>> -> memref<256x64xf32, #tpu.memory_space<hbm>>
      %dma_start3A_401 = arith.constant 0 : i32
      %dma_start3A_402 = arith.constant 0 : i32
      %dma_start3A_403 = tpu.memref_slice %arg6[%dma_start3A_389, %dma_start3A_401, %dma_start3A_402] : memref<4x256x64xf32, #tpu.memory_space<vmem>> -> memref<1x256x64xf32, #tpu.memory_space<vmem>>
      %dma_start3A_404 = tpu.memref_squeeze %dma_start3A_403 : memref<1x256x64xf32, #tpu.memory_space<vmem>> -> memref<256x64xf32, #tpu.memory_space<vmem>>
      tpu.enqueue_dma source(%dma_start3A_404 : memref<256x64xf32, #tpu.memory_space<vmem>>) target(%dma_start3A_400 : memref<256x64xf32, #tpu.memory_space<hbm>>) target_semaphore(%dma_start3A_398 : memref<!tpu.dma_semaphore, #tpu.memory_space<semaphore_mem>>)
      %add3A_405 = arith.constant 0 : i32
      %add3A_406 = arith.addi %mul3A_256, %add3A_405 : i32
      %mul3A_407 = arith.constant 256 : i32
      %mul3A_408 = arith.muli %add3A_406, %mul3A_407 : i32
      %add3A_409 = arith.addi %mul3A_2, %mul3A_408 : i32
      %dma_wait3A_410 = arith.constant 0 : i32
      %dma_wait3A_411 = arith.constant 0 : i32
      %dma_wait3A_412 = arith.constant 0 : i32
      %dma_wait3A_413 = arith.constant 0 : i32
      %dma_wait3A_414 = tpu.memref_slice %arg6[%dma_wait3A_410, %dma_wait3A_412, %dma_wait3A_413] : memref<4x256x64xf32, #tpu.memory_space<vmem>> -> memref<1x256x64xf32, #tpu.memory_space<vmem>>
      %dma_wait3A_415 = tpu.memref_squeeze %dma_wait3A_414 : memref<1x256x64xf32, #tpu.memory_space<vmem>> -> memref<256x64xf32, #tpu.memory_space<vmem>>
      %dma_wait3A_416 = arith.constant 0 : i32
      %dma_wait3A_417 = tpu.memref_slice %arg4[%add3A_409, %dma_wait3A_416] : memref<819200x64xf32, #tpu.memory_space<hbm>> -> memref<256x64xf32, #tpu.memory_space<hbm>>
      %dma_wait3A_418 = tpu.memref_slice %arg8[%dma_wait3A_411] : memref<4x!tpu.dma_semaphore, #tpu.memory_space<semaphore_mem>> -> memref<1x!tpu.dma_semaphore, #tpu.memory_space<semaphore_mem>>
      %dma_wait3A_419 = tpu.memref_squeeze %dma_wait3A_418 : memref<1x!tpu.dma_semaphore, #tpu.memory_space<semaphore_mem>> -> memref<!tpu.dma_semaphore, #tpu.memory_space<semaphore_mem>>
      %dma_wait3A_420 = arith.constant 0 : i32
      %dma_wait3A_421 = tpu.memref_slice %arg4[%add3A_409, %dma_wait3A_420] : memref<819200x64xf32, #tpu.memory_space<hbm>> -> memref<256x64xf32, #tpu.memory_space<hbm>>
      %dma_wait3A_422 = arith.constant 0 : i32
      %dma_wait3A_423 = arith.constant 0 : i32
      %dma_wait3A_424 = tpu.memref_slice %arg6[%dma_wait3A_410, %dma_wait3A_422, %dma_wait3A_423] : memref<4x256x64xf32, #tpu.memory_space<vmem>> -> memref<1x256x64xf32, #tpu.memory_space<vmem>>
      %dma_wait3A_425 = tpu.memref_squeeze %dma_wait3A_424 : memref<1x256x64xf32, #tpu.memory_space<vmem>> -> memref<256x64xf32, #tpu.memory_space<vmem>>
      tpu.wait_dma2 semaphore(%dma_wait3A_419 : memref<!tpu.dma_semaphore, #tpu.memory_space<semaphore_mem>>) src(%dma_wait3A_425 : memref<256x64xf32, #tpu.memory_space<vmem>>) dst(%dma_wait3A_421 : memref<256x64xf32, #tpu.memory_space<hbm>>)
      %add3A_426 = arith.constant 4 : i32
      %add3A_427 = arith.addi %mul3A_256, %add3A_426 : i32
      %add3A_428 = arith.constant 0 : i32
      %add3A_429 = arith.addi %add3A_427, %add3A_428 : i32
      %mul3A_430 = arith.constant 256 : i32
      %mul3A_431 = arith.muli %add3A_429, %mul3A_430 : i32
      %dma_start3A_432 = arith.constant 0 : i32
      %dma_start3A_433 = arith.constant 0 : i32
      %dma_start3A_434 = arith.constant 0 : i32
      %dma_start3A_435 = arith.constant 0 : i32
      %dma_start3A_436 = tpu.memref_slice %arg6[%dma_start3A_432, %dma_start3A_434, %dma_start3A_435] : memref<4x256x64xf32, #tpu.memory_space<vmem>> -> memref<1x256x64xf32, #tpu.memory_space<vmem>>
      %dma_start3A_437 = tpu.memref_squeeze %dma_start3A_436 : memref<1x256x64xf32, #tpu.memory_space<vmem>> -> memref<256x64xf32, #tpu.memory_space<vmem>>
      %dma_start3A_438 = tpu.memref_slice %arg5[%mul3A_431] : memref<25600xi32, #tpu.memory_space<vmem>> -> memref<256xi32, #tpu.memory_space<vmem>>
      %dma_start3A_439 = arith.constant 0 : i32
      %dma_start3A_440 = arith.constant 0 : i32
      %dma_start3A_441 = tpu.memref_slice %arg3[%dma_start3A_439, %dma_start3A_440] : memref<1000000x64xf32, #tpu.memory_space<hbm>> -> memref<1000000x64xf32, #tpu.memory_space<hbm>>
      %dma_start3A_442 = tpu.memref_slice %arg7[%dma_start3A_433] : memref<4x!tpu.dma_semaphore, #tpu.memory_space<semaphore_mem>> -> memref<1x!tpu.dma_semaphore, #tpu.memory_space<semaphore_mem>>
      %dma_start3A_443 = tpu.memref_squeeze %dma_start3A_442 : memref<1x!tpu.dma_semaphore, #tpu.memory_space<semaphore_mem>> -> memref<!tpu.dma_semaphore, #tpu.memory_space<semaphore_mem>>
      tpu.enqueue_indirect_dma source(%dma_start3A_441 : memref<1000000x64xf32, #tpu.memory_space<hbm>>) target(%dma_start3A_437 : memref<256x64xf32, #tpu.memory_space<vmem>>) offsets(%dma_start3A_438 : memref<256xi32, #tpu.memory_space<vmem>>) semaphore(%dma_start3A_443 : memref<!tpu.dma_semaphore, #tpu.memory_space<semaphore_mem>>)
      %add3A_444 = arith.constant 1 : i32
      %add3A_445 = arith.addi %mul3A_256, %add3A_444 : i32
      %mul3A_446 = arith.constant 256 : i32
      %mul3A_447 = arith.muli %add3A_445, %mul3A_446 : i32
      %add3A_448 = arith.addi %mul3A_2, %mul3A_447 : i32
      %dma_wait3A_449 = arith.constant 1 : i32
      %dma_wait3A_450 = arith.constant 1 : i32
      %dma_wait3A_451 = arith.constant 0 : i32
      %dma_wait3A_452 = arith.constant 0 : i32
      %dma_wait3A_453 = tpu.memref_slice %arg6[%dma_wait3A_449, %dma_wait3A_451, %dma_wait3A_452] : memref<4x256x64xf32, #tpu.memory_space<vmem>> -> memref<1x256x64xf32, #tpu.memory_space<vmem>>
      %dma_wait3A_454 = tpu.memref_squeeze %dma_wait3A_453 : memref<1x256x64xf32, #tpu.memory_space<vmem>> -> memref<256x64xf32, #tpu.memory_space<vmem>>
      %dma_wait3A_455 = arith.constant 0 : i32
      %dma_wait3A_456 = tpu.memref_slice %arg4[%add3A_448, %dma_wait3A_455] : memref<819200x64xf32, #tpu.memory_space<hbm>> -> memref<256x64xf32, #tpu.memory_space<hbm>>
      %dma_wait3A_457 = tpu.memref_slice %arg8[%dma_wait3A_450] : memref<4x!tpu.dma_semaphore, #tpu.memory_space<semaphore_mem>> -> memref<1x!tpu.dma_semaphore, #tpu.memory_space<semaphore_mem>>
      %dma_wait3A_458 = tpu.memref_squeeze %dma_wait3A_457 : memref<1x!tpu.dma_semaphore, #tpu.memory_space<semaphore_mem>> -> memref<!tpu.dma_semaphore, #tpu.memory_space<semaphore_mem>>
      %dma_wait3A_459 = arith.constant 0 : i32
      %dma_wait3A_460 = tpu.memref_slice %arg4[%add3A_448, %dma_wait3A_459] : memref<819200x64xf32, #tpu.memory_space<hbm>> -> memref<256x64xf32, #tpu.memory_space<hbm>>
      %dma_wait3A_461 = arith.constant 0 : i32
      %dma_wait3A_462 = arith.constant 0 : i32
      %dma_wait3A_463 = tpu.memref_slice %arg6[%dma_wait3A_449, %dma_wait3A_461, %dma_wait3A_462] : memref<4x256x64xf32, #tpu.memory_space<vmem>> -> memref<1x256x64xf32, #tpu.memory_space<vmem>>
      %dma_wait3A_464 = tpu.memref_squeeze %dma_wait3A_463 : memref<1x256x64xf32, #tpu.memory_space<vmem>> -> memref<256x64xf32, #tpu.memory_space<vmem>>
      tpu.wait_dma2 semaphore(%dma_wait3A_458 : memref<!tpu.dma_semaphore, #tpu.memory_space<semaphore_mem>>) src(%dma_wait3A_464 : memref<256x64xf32, #tpu.memory_space<vmem>>) dst(%dma_wait3A_460 : memref<256x64xf32, #tpu.memory_space<hbm>>)
      %add3A_465 = arith.constant 4 : i32
      %add3A_466 = arith.addi %mul3A_256, %add3A_465 : i32
      %add3A_467 = arith.constant 1 : i32
      %add3A_468 = arith.addi %add3A_466, %add3A_467 : i32
      %mul3A_469 = arith.constant 256 : i32
      %mul3A_470 = arith.muli %add3A_468, %mul3A_469 : i32
      %dma_start3A_471 = arith.constant 1 : i32
      %dma_start3A_472 = arith.constant 1 : i32
      %dma_start3A_473 = arith.constant 0 : i32
      %dma_start3A_474 = arith.constant 0 : i32
      %dma_start3A_475 = tpu.memref_slice %arg6[%dma_start3A_471, %dma_start3A_473, %dma_start3A_474] : memref<4x256x64xf32, #tpu.memory_space<vmem>> -> memref<1x256x64xf32, #tpu.memory_space<vmem>>
      %dma_start3A_476 = tpu.memref_squeeze %dma_start3A_475 : memref<1x256x64xf32, #tpu.memory_space<vmem>> -> memref<256x64xf32, #tpu.memory_space<vmem>>
      %dma_start3A_477 = tpu.memref_slice %arg5[%mul3A_470] : memref<25600xi32, #tpu.memory_space<vmem>> -> memref<256xi32, #tpu.memory_space<vmem>>
      %dma_start3A_478 = arith.constant 0 : i32
      %dma_start3A_479 = arith.constant 0 : i32
      %dma_start3A_480 = tpu.memref_slice %arg3[%dma_start3A_478, %dma_start3A_479] : memref<1000000x64xf32, #tpu.memory_space<hbm>> -> memref<1000000x64xf32, #tpu.memory_space<hbm>>
      %dma_start3A_481 = tpu.memref_slice %arg7[%dma_start3A_472] : memref<4x!tpu.dma_semaphore, #tpu.memory_space<semaphore_mem>> -> memref<1x!tpu.dma_semaphore, #tpu.memory_space<semaphore_mem>>
      %dma_start3A_482 = tpu.memref_squeeze %dma_start3A_481 : memref<1x!tpu.dma_semaphore, #tpu.memory_space<semaphore_mem>> -> memref<!tpu.dma_semaphore, #tpu.memory_space<semaphore_mem>>
      tpu.enqueue_indirect_dma source(%dma_start3A_480 : memref<1000000x64xf32, #tpu.memory_space<hbm>>) target(%dma_start3A_476 : memref<256x64xf32, #tpu.memory_space<vmem>>) offsets(%dma_start3A_477 : memref<256xi32, #tpu.memory_space<vmem>>) semaphore(%dma_start3A_482 : memref<!tpu.dma_semaphore, #tpu.memory_space<semaphore_mem>>)
      %add3A_483 = arith.constant 2 : i32
      %add3A_484 = arith.addi %mul3A_256, %add3A_483 : i32
      %mul3A_485 = arith.constant 256 : i32
      %mul3A_486 = arith.muli %add3A_484, %mul3A_485 : i32
      %add3A_487 = arith.addi %mul3A_2, %mul3A_486 : i32
      %dma_wait3A_488 = arith.constant 2 : i32
      %dma_wait3A_489 = arith.constant 2 : i32
      %dma_wait3A_490 = arith.constant 0 : i32
      %dma_wait3A_491 = arith.constant 0 : i32
      %dma_wait3A_492 = tpu.memref_slice %arg6[%dma_wait3A_488, %dma_wait3A_490, %dma_wait3A_491] : memref<4x256x64xf32, #tpu.memory_space<vmem>> -> memref<1x256x64xf32, #tpu.memory_space<vmem>>
      %dma_wait3A_493 = tpu.memref_squeeze %dma_wait3A_492 : memref<1x256x64xf32, #tpu.memory_space<vmem>> -> memref<256x64xf32, #tpu.memory_space<vmem>>
      %dma_wait3A_494 = arith.constant 0 : i32
      %dma_wait3A_495 = tpu.memref_slice %arg4[%add3A_487, %dma_wait3A_494] : memref<819200x64xf32, #tpu.memory_space<hbm>> -> memref<256x64xf32, #tpu.memory_space<hbm>>
      %dma_wait3A_496 = tpu.memref_slice %arg8[%dma_wait3A_489] : memref<4x!tpu.dma_semaphore, #tpu.memory_space<semaphore_mem>> -> memref<1x!tpu.dma_semaphore, #tpu.memory_space<semaphore_mem>>
      %dma_wait3A_497 = tpu.memref_squeeze %dma_wait3A_496 : memref<1x!tpu.dma_semaphore, #tpu.memory_space<semaphore_mem>> -> memref<!tpu.dma_semaphore, #tpu.memory_space<semaphore_mem>>
      %dma_wait3A_498 = arith.constant 0 : i32
      %dma_wait3A_499 = tpu.memref_slice %arg4[%add3A_487, %dma_wait3A_498] : memref<819200x64xf32, #tpu.memory_space<hbm>> -> memref<256x64xf32, #tpu.memory_space<hbm>>
      %dma_wait3A_500 = arith.constant 0 : i32
      %dma_wait3A_501 = arith.constant 0 : i32
      %dma_wait3A_502 = tpu.memref_slice %arg6[%dma_wait3A_488, %dma_wait3A_500, %dma_wait3A_501] : memref<4x256x64xf32, #tpu.memory_space<vmem>> -> memref<1x256x64xf32, #tpu.memory_space<vmem>>
      %dma_wait3A_503 = tpu.memref_squeeze %dma_wait3A_502 : memref<1x256x64xf32, #tpu.memory_space<vmem>> -> memref<256x64xf32, #tpu.memory_space<vmem>>
      tpu.wait_dma2 semaphore(%dma_wait3A_497 : memref<!tpu.dma_semaphore, #tpu.memory_space<semaphore_mem>>) src(%dma_wait3A_503 : memref<256x64xf32, #tpu.memory_space<vmem>>) dst(%dma_wait3A_499 : memref<256x64xf32, #tpu.memory_space<hbm>>)
      %add3A_504 = arith.constant 4 : i32
      %add3A_505 = arith.addi %mul3A_256, %add3A_504 : i32
      %add3A_506 = arith.constant 2 : i32
      %add3A_507 = arith.addi %add3A_505, %add3A_506 : i32
      %mul3A_508 = arith.constant 256 : i32
      %mul3A_509 = arith.muli %add3A_507, %mul3A_508 : i32
      %dma_start3A_510 = arith.constant 2 : i32
      %dma_start3A_511 = arith.constant 2 : i32
      %dma_start3A_512 = arith.constant 0 : i32
      %dma_start3A_513 = arith.constant 0 : i32
      %dma_start3A_514 = tpu.memref_slice %arg6[%dma_start3A_510, %dma_start3A_512, %dma_start3A_513] : memref<4x256x64xf32, #tpu.memory_space<vmem>> -> memref<1x256x64xf32, #tpu.memory_space<vmem>>
      %dma_start3A_515 = tpu.memref_squeeze %dma_start3A_514 : memref<1x256x64xf32, #tpu.memory_space<vmem>> -> memref<256x64xf32, #tpu.memory_space<vmem>>
      %dma_start3A_516 = tpu.memref_slice %arg5[%mul3A_509] : memref<25600xi32, #tpu.memory_space<vmem>> -> memref<256xi32, #tpu.memory_space<vmem>>
      %dma_start3A_517 = arith.constant 0 : i32
      %dma_start3A_518 = arith.constant 0 : i32
      %dma_start3A_519 = tpu.memref_slice %arg3[%dma_start3A_517, %dma_start3A_518] : memref<1000000x64xf32, #tpu.memory_space<hbm>> -> memref<1000000x64xf32, #tpu.memory_space<hbm>>
      %dma_start3A_520 = tpu.memref_slice %arg7[%dma_start3A_511] : memref<4x!tpu.dma_semaphore, #tpu.memory_space<semaphore_mem>> -> memref<1x!tpu.dma_semaphore, #tpu.memory_space<semaphore_mem>>
      %dma_start3A_521 = tpu.memref_squeeze %dma_start3A_520 : memref<1x!tpu.dma_semaphore, #tpu.memory_space<semaphore_mem>> -> memref<!tpu.dma_semaphore, #tpu.memory_space<semaphore_mem>>
      tpu.enqueue_indirect_dma source(%dma_start3A_519 : memref<1000000x64xf32, #tpu.memory_space<hbm>>) target(%dma_start3A_515 : memref<256x64xf32, #tpu.memory_space<vmem>>) offsets(%dma_start3A_516 : memref<256xi32, #tpu.memory_space<vmem>>) semaphore(%dma_start3A_521 : memref<!tpu.dma_semaphore, #tpu.memory_space<semaphore_mem>>)
      %add3A_522 = arith.constant 3 : i32
      %add3A_523 = arith.addi %mul3A_256, %add3A_522 : i32
      %mul3A_524 = arith.constant 256 : i32
      %mul3A_525 = arith.muli %add3A_523, %mul3A_524 : i32
      %add3A_526 = arith.addi %mul3A_2, %mul3A_525 : i32
      %dma_wait3A_527 = arith.constant 3 : i32
      %dma_wait3A_528 = arith.constant 3 : i32
      %dma_wait3A_529 = arith.constant 0 : i32
      %dma_wait3A_530 = arith.constant 0 : i32
      %dma_wait3A_531 = tpu.memref_slice %arg6[%dma_wait3A_527, %dma_wait3A_529, %dma_wait3A_530] : memref<4x256x64xf32, #tpu.memory_space<vmem>> -> memref<1x256x64xf32, #tpu.memory_space<vmem>>
      %dma_wait3A_532 = tpu.memref_squeeze %dma_wait3A_531 : memref<1x256x64xf32, #tpu.memory_space<vmem>> -> memref<256x64xf32, #tpu.memory_space<vmem>>
      %dma_wait3A_533 = arith.constant 0 : i32
      %dma_wait3A_534 = tpu.memref_slice %arg4[%add3A_526, %dma_wait3A_533] : memref<819200x64xf32, #tpu.memory_space<hbm>> -> memref<256x64xf32, #tpu.memory_space<hbm>>
      %dma_wait3A_535 = tpu.memref_slice %arg8[%dma_wait3A_528] : memref<4x!tpu.dma_semaphore, #tpu.memory_space<semaphore_mem>> -> memref<1x!tpu.dma_semaphore, #tpu.memory_space<semaphore_mem>>
      %dma_wait3A_536 = tpu.memref_squeeze %dma_wait3A_535 : memref<1x!tpu.dma_semaphore, #tpu.memory_space<semaphore_mem>> -> memref<!tpu.dma_semaphore, #tpu.memory_space<semaphore_mem>>
      %dma_wait3A_537 = arith.constant 0 : i32
      %dma_wait3A_538 = tpu.memref_slice %arg4[%add3A_526, %dma_wait3A_537] : memref<819200x64xf32, #tpu.memory_space<hbm>> -> memref<256x64xf32, #tpu.memory_space<hbm>>
      %dma_wait3A_539 = arith.constant 0 : i32
      %dma_wait3A_540 = arith.constant 0 : i32
      %dma_wait3A_541 = tpu.memref_slice %arg6[%dma_wait3A_527, %dma_wait3A_539, %dma_wait3A_540] : memref<4x256x64xf32, #tpu.memory_space<vmem>> -> memref<1x256x64xf32, #tpu.memory_space<vmem>>
      %dma_wait3A_542 = tpu.memref_squeeze %dma_wait3A_541 : memref<1x256x64xf32, #tpu.memory_space<vmem>> -> memref<256x64xf32, #tpu.memory_space<vmem>>
      tpu.wait_dma2 semaphore(%dma_wait3A_536 : memref<!tpu.dma_semaphore, #tpu.memory_space<semaphore_mem>>) src(%dma_wait3A_542 : memref<256x64xf32, #tpu.memory_space<vmem>>) dst(%dma_wait3A_538 : memref<256x64xf32, #tpu.memory_space<hbm>>)
      %add3A_543 = arith.constant 4 : i32
      %add3A_544 = arith.addi %mul3A_256, %add3A_543 : i32
      %add3A_545 = arith.constant 3 : i32
      %add3A_546 = arith.addi %add3A_544, %add3A_545 : i32
      %mul3A_547 = arith.constant 256 : i32
      %mul3A_548 = arith.muli %add3A_546, %mul3A_547 : i32
      %dma_start3A_549 = arith.constant 3 : i32
      %dma_start3A_550 = arith.constant 3 : i32
      %dma_start3A_551 = arith.constant 0 : i32
      %dma_start3A_552 = arith.constant 0 : i32
      %dma_start3A_553 = tpu.memref_slice %arg6[%dma_start3A_549, %dma_start3A_551, %dma_start3A_552] : memref<4x256x64xf32, #tpu.memory_space<vmem>> -> memref<1x256x64xf32, #tpu.memory_space<vmem>>
      %dma_start3A_554 = tpu.memref_squeeze %dma_start3A_553 : memref<1x256x64xf32, #tpu.memory_space<vmem>> -> memref<256x64xf32, #tpu.memory_space<vmem>>
      %dma_start3A_555 = tpu.memref_slice %arg5[%mul3A_548] : memref<25600xi32, #tpu.memory_space<vmem>> -> memref<256xi32, #tpu.memory_space<vmem>>
      %dma_start3A_556 = arith.constant 0 : i32
      %dma_start3A_557 = arith.constant 0 : i32
      %dma_start3A_558 = tpu.memref_slice %arg3[%dma_start3A_556, %dma_start3A_557] : memref<1000000x64xf32, #tpu.memory_space<hbm>> -> memref<1000000x64xf32, #tpu.memory_space<hbm>>
      %dma_start3A_559 = tpu.memref_slice %arg7[%dma_start3A_550] : memref<4x!tpu.dma_semaphore, #tpu.memory_space<semaphore_mem>> -> memref<1x!tpu.dma_semaphore, #tpu.memory_space<semaphore_mem>>
      %dma_start3A_560 = tpu.memref_squeeze %dma_start3A_559 : memref<1x!tpu.dma_semaphore, #tpu.memory_space<semaphore_mem>> -> memref<!tpu.dma_semaphore, #tpu.memory_space<semaphore_mem>>
      tpu.enqueue_indirect_dma source(%dma_start3A_558 : memref<1000000x64xf32, #tpu.memory_space<hbm>>) target(%dma_start3A_554 : memref<256x64xf32, #tpu.memory_space<vmem>>) offsets(%dma_start3A_555 : memref<256xi32, #tpu.memory_space<vmem>>) semaphore(%dma_start3A_560 : memref<!tpu.dma_semaphore, #tpu.memory_space<semaphore_mem>>)
    }
    %scan3A_58 = arith.constant 24 : i32
    %dma_wait3A = arith.constant 0 : i32
    %dma_wait3A_59 = arith.constant 0 : i32
    %dma_wait3A_60 = arith.constant 0 : i32
    %dma_wait3A_61 = arith.constant 0 : i32
    %dma_wait3A_62 = tpu.memref_slice %arg6[%dma_wait3A, %dma_wait3A_60, %dma_wait3A_61] : memref<4x256x64xf32, #tpu.memory_space<vmem>> -> memref<1x256x64xf32, #tpu.memory_space<vmem>>
    %dma_wait3A_63 = tpu.memref_squeeze %dma_wait3A_62 : memref<1x256x64xf32, #tpu.memory_space<vmem>> -> memref<256x64xf32, #tpu.memory_space<vmem>>
    %dma_wait3A_64 = arith.constant 24576 : i32
    %dma_wait3A_65 = tpu.memref_slice %arg5[%dma_wait3A_64] : memref<25600xi32, #tpu.memory_space<vmem>> -> memref<256xi32, #tpu.memory_space<vmem>>
    %dma_wait3A_66 = arith.constant 0 : i32
    %dma_wait3A_67 = arith.constant 0 : i32
    %dma_wait3A_68 = tpu.memref_slice %arg3[%dma_wait3A_66, %dma_wait3A_67] : memref<1000000x64xf32, #tpu.memory_space<hbm>> -> memref<1000000x64xf32, #tpu.memory_space<hbm>>
    %dma_wait3A_69 = tpu.memref_slice %arg7[%dma_wait3A_59] : memref<4x!tpu.dma_semaphore, #tpu.memory_space<semaphore_mem>> -> memref<1x!tpu.dma_semaphore, #tpu.memory_space<semaphore_mem>>
    %dma_wait3A_70 = tpu.memref_squeeze %dma_wait3A_69 : memref<1x!tpu.dma_semaphore, #tpu.memory_space<semaphore_mem>> -> memref<!tpu.dma_semaphore, #tpu.memory_space<semaphore_mem>>
    tpu.wait_indirect_dma semaphore(%dma_wait3A_70 : memref<!tpu.dma_semaphore, #tpu.memory_space<semaphore_mem>>) src(%dma_wait3A_68 : memref<1000000x64xf32, #tpu.memory_space<hbm>>) dst(%dma_wait3A_63 : memref<256x64xf32, #tpu.memory_space<vmem>>)
    %add3A_71 = arith.constant 24576 : i32
    %add3A_72 = arith.addi %mul3A_2, %add3A_71 : i32
    %dma_start3A_73 = arith.constant 0 : i32
    %dma_start3A_74 = arith.constant 0 : i32
    %dma_start3A_75 = arith.constant 0 : i32
    %dma_start3A_76 = arith.constant 0 : i32
    %dma_start3A_77 = tpu.memref_slice %arg6[%dma_start3A_73, %dma_start3A_75, %dma_start3A_76] : memref<4x256x64xf32, #tpu.memory_space<vmem>> -> memref<1x256x64xf32, #tpu.memory_space<vmem>>
    %dma_start3A_78 = tpu.memref_squeeze %dma_start3A_77 : memref<1x256x64xf32, #tpu.memory_space<vmem>> -> memref<256x64xf32, #tpu.memory_space<vmem>>
    %dma_start3A_79 = arith.constant 0 : i32
    %dma_start3A_80 = tpu.memref_slice %arg4[%add3A_72, %dma_start3A_79] : memref<819200x64xf32, #tpu.memory_space<hbm>> -> memref<256x64xf32, #tpu.memory_space<hbm>>
    %dma_start3A_81 = tpu.memref_slice %arg8[%dma_start3A_74] : memref<4x!tpu.dma_semaphore, #tpu.memory_space<semaphore_mem>> -> memref<1x!tpu.dma_semaphore, #tpu.memory_space<semaphore_mem>>
    %dma_start3A_82 = tpu.memref_squeeze %dma_start3A_81 : memref<1x!tpu.dma_semaphore, #tpu.memory_space<semaphore_mem>> -> memref<!tpu.dma_semaphore, #tpu.memory_space<semaphore_mem>>
    %dma_start3A_83 = arith.constant 0 : i32
    %dma_start3A_84 = tpu.memref_slice %arg4[%add3A_72, %dma_start3A_83] : memref<819200x64xf32, #tpu.memory_space<hbm>> -> memref<256x64xf32, #tpu.memory_space<hbm>>
    %dma_start3A_85 = arith.constant 0 : i32
    %dma_start3A_86 = arith.constant 0 : i32
    %dma_start3A_87 = tpu.memref_slice %arg6[%dma_start3A_73, %dma_start3A_85, %dma_start3A_86] : memref<4x256x64xf32, #tpu.memory_space<vmem>> -> memref<1x256x64xf32, #tpu.memory_space<vmem>>
    %dma_start3A_88 = tpu.memref_squeeze %dma_start3A_87 : memref<1x256x64xf32, #tpu.memory_space<vmem>> -> memref<256x64xf32, #tpu.memory_space<vmem>>
    tpu.enqueue_dma source(%dma_start3A_88 : memref<256x64xf32, #tpu.memory_space<vmem>>) target(%dma_start3A_84 : memref<256x64xf32, #tpu.memory_space<hbm>>) target_semaphore(%dma_start3A_82 : memref<!tpu.dma_semaphore, #tpu.memory_space<semaphore_mem>>)
    %dma_wait3A_89 = arith.constant 1 : i32
    %dma_wait3A_90 = arith.constant 1 : i32
    %dma_wait3A_91 = arith.constant 0 : i32
    %dma_wait3A_92 = arith.constant 0 : i32
    %dma_wait3A_93 = tpu.memref_slice %arg6[%dma_wait3A_89, %dma_wait3A_91, %dma_wait3A_92] : memref<4x256x64xf32, #tpu.memory_space<vmem>> -> memref<1x256x64xf32, #tpu.memory_space<vmem>>
    %dma_wait3A_94 = tpu.memref_squeeze %dma_wait3A_93 : memref<1x256x64xf32, #tpu.memory_space<vmem>> -> memref<256x64xf32, #tpu.memory_space<vmem>>
    %dma_wait3A_95 = arith.constant 24832 : i32
    %dma_wait3A_96 = tpu.memref_slice %arg5[%dma_wait3A_95] : memref<25600xi32, #tpu.memory_space<vmem>> -> memref<256xi32, #tpu.memory_space<vmem>>
    %dma_wait3A_97 = arith.constant 0 : i32
    %dma_wait3A_98 = arith.constant 0 : i32
    %dma_wait3A_99 = tpu.memref_slice %arg3[%dma_wait3A_97, %dma_wait3A_98] : memref<1000000x64xf32, #tpu.memory_space<hbm>> -> memref<1000000x64xf32, #tpu.memory_space<hbm>>
    %dma_wait3A_100 = tpu.memref_slice %arg7[%dma_wait3A_90] : memref<4x!tpu.dma_semaphore, #tpu.memory_space<semaphore_mem>> -> memref<1x!tpu.dma_semaphore, #tpu.memory_space<semaphore_mem>>
    %dma_wait3A_101 = tpu.memref_squeeze %dma_wait3A_100 : memref<1x!tpu.dma_semaphore, #tpu.memory_space<semaphore_mem>> -> memref<!tpu.dma_semaphore, #tpu.memory_space<semaphore_mem>>
    tpu.wait_indirect_dma semaphore(%dma_wait3A_101 : memref<!tpu.dma_semaphore, #tpu.memory_space<semaphore_mem>>) src(%dma_wait3A_99 : memref<1000000x64xf32, #tpu.memory_space<hbm>>) dst(%dma_wait3A_94 : memref<256x64xf32, #tpu.memory_space<vmem>>)
    %add3A_102 = arith.constant 24832 : i32
    %add3A_103 = arith.addi %mul3A_2, %add3A_102 : i32
    %dma_start3A_104 = arith.constant 1 : i32
    %dma_start3A_105 = arith.constant 1 : i32
    %dma_start3A_106 = arith.constant 0 : i32
    %dma_start3A_107 = arith.constant 0 : i32
    %dma_start3A_108 = tpu.memref_slice %arg6[%dma_start3A_104, %dma_start3A_106, %dma_start3A_107] : memref<4x256x64xf32, #tpu.memory_space<vmem>> -> memref<1x256x64xf32, #tpu.memory_space<vmem>>
    %dma_start3A_109 = tpu.memref_squeeze %dma_start3A_108 : memref<1x256x64xf32, #tpu.memory_space<vmem>> -> memref<256x64xf32, #tpu.memory_space<vmem>>
    %dma_start3A_110 = arith.constant 0 : i32
    %dma_start3A_111 = tpu.memref_slice %arg4[%add3A_103, %dma_start3A_110] : memref<819200x64xf32, #tpu.memory_space<hbm>> -> memref<256x64xf32, #tpu.memory_space<hbm>>
    %dma_start3A_112 = tpu.memref_slice %arg8[%dma_start3A_105] : memref<4x!tpu.dma_semaphore, #tpu.memory_space<semaphore_mem>> -> memref<1x!tpu.dma_semaphore, #tpu.memory_space<semaphore_mem>>
    %dma_start3A_113 = tpu.memref_squeeze %dma_start3A_112 : memref<1x!tpu.dma_semaphore, #tpu.memory_space<semaphore_mem>> -> memref<!tpu.dma_semaphore, #tpu.memory_space<semaphore_mem>>
    %dma_start3A_114 = arith.constant 0 : i32
    %dma_start3A_115 = tpu.memref_slice %arg4[%add3A_103, %dma_start3A_114] : memref<819200x64xf32, #tpu.memory_space<hbm>> -> memref<256x64xf32, #tpu.memory_space<hbm>>
    %dma_start3A_116 = arith.constant 0 : i32
    %dma_start3A_117 = arith.constant 0 : i32
    %dma_start3A_118 = tpu.memref_slice %arg6[%dma_start3A_104, %dma_start3A_116, %dma_start3A_117] : memref<4x256x64xf32, #tpu.memory_space<vmem>> -> memref<1x256x64xf32, #tpu.memory_space<vmem>>
    %dma_start3A_119 = tpu.memref_squeeze %dma_start3A_118 : memref<1x256x64xf32, #tpu.memory_space<vmem>> -> memref<256x64xf32, #tpu.memory_space<vmem>>
    tpu.enqueue_dma source(%dma_start3A_119 : memref<256x64xf32, #tpu.memory_space<vmem>>) target(%dma_start3A_115 : memref<256x64xf32, #tpu.memory_space<hbm>>) target_semaphore(%dma_start3A_113 : memref<!tpu.dma_semaphore, #tpu.memory_space<semaphore_mem>>)
    %dma_wait3A_120 = arith.constant 2 : i32
    %dma_wait3A_121 = arith.constant 2 : i32
    %dma_wait3A_122 = arith.constant 0 : i32
    %dma_wait3A_123 = arith.constant 0 : i32
    %dma_wait3A_124 = tpu.memref_slice %arg6[%dma_wait3A_120, %dma_wait3A_122, %dma_wait3A_123] : memref<4x256x64xf32, #tpu.memory_space<vmem>> -> memref<1x256x64xf32, #tpu.memory_space<vmem>>
    %dma_wait3A_125 = tpu.memref_squeeze %dma_wait3A_124 : memref<1x256x64xf32, #tpu.memory_space<vmem>> -> memref<256x64xf32, #tpu.memory_space<vmem>>
    %dma_wait3A_126 = arith.constant 25088 : i32
    %dma_wait3A_127 = tpu.memref_slice %arg5[%dma_wait3A_126] : memref<25600xi32, #tpu.memory_space<vmem>> -> memref<256xi32, #tpu.memory_space<vmem>>
    %dma_wait3A_128 = arith.constant 0 : i32
    %dma_wait3A_129 = arith.constant 0 : i32
    %dma_wait3A_130 = tpu.memref_slice %arg3[%dma_wait3A_128, %dma_wait3A_129] : memref<1000000x64xf32, #tpu.memory_space<hbm>> -> memref<1000000x64xf32, #tpu.memory_space<hbm>>
    %dma_wait3A_131 = tpu.memref_slice %arg7[%dma_wait3A_121] : memref<4x!tpu.dma_semaphore, #tpu.memory_space<semaphore_mem>> -> memref<1x!tpu.dma_semaphore, #tpu.memory_space<semaphore_mem>>
    %dma_wait3A_132 = tpu.memref_squeeze %dma_wait3A_131 : memref<1x!tpu.dma_semaphore, #tpu.memory_space<semaphore_mem>> -> memref<!tpu.dma_semaphore, #tpu.memory_space<semaphore_mem>>
    tpu.wait_indirect_dma semaphore(%dma_wait3A_132 : memref<!tpu.dma_semaphore, #tpu.memory_space<semaphore_mem>>) src(%dma_wait3A_130 : memref<1000000x64xf32, #tpu.memory_space<hbm>>) dst(%dma_wait3A_125 : memref<256x64xf32, #tpu.memory_space<vmem>>)
    %add3A_133 = arith.constant 25088 : i32
    %add3A_134 = arith.addi %mul3A_2, %add3A_133 : i32
    %dma_start3A_135 = arith.constant 2 : i32
    %dma_start3A_136 = arith.constant 2 : i32
    %dma_start3A_137 = arith.constant 0 : i32
    %dma_start3A_138 = arith.constant 0 : i32
    %dma_start3A_139 = tpu.memref_slice %arg6[%dma_start3A_135, %dma_start3A_137, %dma_start3A_138] : memref<4x256x64xf32, #tpu.memory_space<vmem>> -> memref<1x256x64xf32, #tpu.memory_space<vmem>>
    %dma_start3A_140 = tpu.memref_squeeze %dma_start3A_139 : memref<1x256x64xf32, #tpu.memory_space<vmem>> -> memref<256x64xf32, #tpu.memory_space<vmem>>
    %dma_start3A_141 = arith.constant 0 : i32
    %dma_start3A_142 = tpu.memref_slice %arg4[%add3A_134, %dma_start3A_141] : memref<819200x64xf32, #tpu.memory_space<hbm>> -> memref<256x64xf32, #tpu.memory_space<hbm>>
    %dma_start3A_143 = tpu.memref_slice %arg8[%dma_start3A_136] : memref<4x!tpu.dma_semaphore, #tpu.memory_space<semaphore_mem>> -> memref<1x!tpu.dma_semaphore, #tpu.memory_space<semaphore_mem>>
    %dma_start3A_144 = tpu.memref_squeeze %dma_start3A_143 : memref<1x!tpu.dma_semaphore, #tpu.memory_space<semaphore_mem>> -> memref<!tpu.dma_semaphore, #tpu.memory_space<semaphore_mem>>
    %dma_start3A_145 = arith.constant 0 : i32
    %dma_start3A_146 = tpu.memref_slice %arg4[%add3A_134, %dma_start3A_145] : memref<819200x64xf32, #tpu.memory_space<hbm>> -> memref<256x64xf32, #tpu.memory_space<hbm>>
    %dma_start3A_147 = arith.constant 0 : i32
    %dma_start3A_148 = arith.constant 0 : i32
    %dma_start3A_149 = tpu.memref_slice %arg6[%dma_start3A_135, %dma_start3A_147, %dma_start3A_148] : memref<4x256x64xf32, #tpu.memory_space<vmem>> -> memref<1x256x64xf32, #tpu.memory_space<vmem>>
    %dma_start3A_150 = tpu.memref_squeeze %dma_start3A_149 : memref<1x256x64xf32, #tpu.memory_space<vmem>> -> memref<256x64xf32, #tpu.memory_space<vmem>>
    tpu.enqueue_dma source(%dma_start3A_150 : memref<256x64xf32, #tpu.memory_space<vmem>>) target(%dma_start3A_146 : memref<256x64xf32, #tpu.memory_space<hbm>>) target_semaphore(%dma_start3A_144 : memref<!tpu.dma_semaphore, #tpu.memory_space<semaphore_mem>>)
    %dma_wait3A_151 = arith.constant 3 : i32
    %dma_wait3A_152 = arith.constant 3 : i32
    %dma_wait3A_153 = arith.constant 0 : i32
    %dma_wait3A_154 = arith.constant 0 : i32
    %dma_wait3A_155 = tpu.memref_slice %arg6[%dma_wait3A_151, %dma_wait3A_153, %dma_wait3A_154] : memref<4x256x64xf32, #tpu.memory_space<vmem>> -> memref<1x256x64xf32, #tpu.memory_space<vmem>>
    %dma_wait3A_156 = tpu.memref_squeeze %dma_wait3A_155 : memref<1x256x64xf32, #tpu.memory_space<vmem>> -> memref<256x64xf32, #tpu.memory_space<vmem>>
    %dma_wait3A_157 = arith.constant 25344 : i32
    %dma_wait3A_158 = tpu.memref_slice %arg5[%dma_wait3A_157] : memref<25600xi32, #tpu.memory_space<vmem>> -> memref<256xi32, #tpu.memory_space<vmem>>
    %dma_wait3A_159 = arith.constant 0 : i32
    %dma_wait3A_160 = arith.constant 0 : i32
    %dma_wait3A_161 = tpu.memref_slice %arg3[%dma_wait3A_159, %dma_wait3A_160] : memref<1000000x64xf32, #tpu.memory_space<hbm>> -> memref<1000000x64xf32, #tpu.memory_space<hbm>>
    %dma_wait3A_162 = tpu.memref_slice %arg7[%dma_wait3A_152] : memref<4x!tpu.dma_semaphore, #tpu.memory_space<semaphore_mem>> -> memref<1x!tpu.dma_semaphore, #tpu.memory_space<semaphore_mem>>
    %dma_wait3A_163 = tpu.memref_squeeze %dma_wait3A_162 : memref<1x!tpu.dma_semaphore, #tpu.memory_space<semaphore_mem>> -> memref<!tpu.dma_semaphore, #tpu.memory_space<semaphore_mem>>
    tpu.wait_indirect_dma semaphore(%dma_wait3A_163 : memref<!tpu.dma_semaphore, #tpu.memory_space<semaphore_mem>>) src(%dma_wait3A_161 : memref<1000000x64xf32, #tpu.memory_space<hbm>>) dst(%dma_wait3A_156 : memref<256x64xf32, #tpu.memory_space<vmem>>)
    %add3A_164 = arith.constant 25344 : i32
    %add3A_165 = arith.addi %mul3A_2, %add3A_164 : i32
    %dma_start3A_166 = arith.constant 3 : i32
    %dma_start3A_167 = arith.constant 3 : i32
    %dma_start3A_168 = arith.constant 0 : i32
    %dma_start3A_169 = arith.constant 0 : i32
    %dma_start3A_170 = tpu.memref_slice %arg6[%dma_start3A_166, %dma_start3A_168, %dma_start3A_169] : memref<4x256x64xf32, #tpu.memory_space<vmem>> -> memref<1x256x64xf32, #tpu.memory_space<vmem>>
    %dma_start3A_171 = tpu.memref_squeeze %dma_start3A_170 : memref<1x256x64xf32, #tpu.memory_space<vmem>> -> memref<256x64xf32, #tpu.memory_space<vmem>>
    %dma_start3A_172 = arith.constant 0 : i32
    %dma_start3A_173 = tpu.memref_slice %arg4[%add3A_165, %dma_start3A_172] : memref<819200x64xf32, #tpu.memory_space<hbm>> -> memref<256x64xf32, #tpu.memory_space<hbm>>
    %dma_start3A_174 = tpu.memref_slice %arg8[%dma_start3A_167] : memref<4x!tpu.dma_semaphore, #tpu.memory_space<semaphore_mem>> -> memref<1x!tpu.dma_semaphore, #tpu.memory_space<semaphore_mem>>
    %dma_start3A_175 = tpu.memref_squeeze %dma_start3A_174 : memref<1x!tpu.dma_semaphore, #tpu.memory_space<semaphore_mem>> -> memref<!tpu.dma_semaphore, #tpu.memory_space<semaphore_mem>>
    %dma_start3A_176 = arith.constant 0 : i32
    %dma_start3A_177 = tpu.memref_slice %arg4[%add3A_165, %dma_start3A_176] : memref<819200x64xf32, #tpu.memory_space<hbm>> -> memref<256x64xf32, #tpu.memory_space<hbm>>
    %dma_start3A_178 = arith.constant 0 : i32
    %dma_start3A_179 = arith.constant 0 : i32
    %dma_start3A_180 = tpu.memref_slice %arg6[%dma_start3A_166, %dma_start3A_178, %dma_start3A_179] : memref<4x256x64xf32, #tpu.memory_space<vmem>> -> memref<1x256x64xf32, #tpu.memory_space<vmem>>
    %dma_start3A_181 = tpu.memref_squeeze %dma_start3A_180 : memref<1x256x64xf32, #tpu.memory_space<vmem>> -> memref<256x64xf32, #tpu.memory_space<vmem>>
    tpu.enqueue_dma source(%dma_start3A_181 : memref<256x64xf32, #tpu.memory_space<vmem>>) target(%dma_start3A_177 : memref<256x64xf32, #tpu.memory_space<hbm>>) target_semaphore(%dma_start3A_175 : memref<!tpu.dma_semaphore, #tpu.memory_space<semaphore_mem>>)
    %add3A_182 = arith.constant 24576 : i32
    %add3A_183 = arith.addi %mul3A_2, %add3A_182 : i32
    %dma_wait3A_184 = arith.constant 0 : i32
    %dma_wait3A_185 = arith.constant 0 : i32
    %dma_wait3A_186 = arith.constant 0 : i32
    %dma_wait3A_187 = arith.constant 0 : i32
    %dma_wait3A_188 = tpu.memref_slice %arg6[%dma_wait3A_184, %dma_wait3A_186, %dma_wait3A_187] : memref<4x256x64xf32, #tpu.memory_space<vmem>> -> memref<1x256x64xf32, #tpu.memory_space<vmem>>
    %dma_wait3A_189 = tpu.memref_squeeze %dma_wait3A_188 : memref<1x256x64xf32, #tpu.memory_space<vmem>> -> memref<256x64xf32, #tpu.memory_space<vmem>>
    %dma_wait3A_190 = arith.constant 0 : i32
    %dma_wait3A_191 = tpu.memref_slice %arg4[%add3A_183, %dma_wait3A_190] : memref<819200x64xf32, #tpu.memory_space<hbm>> -> memref<256x64xf32, #tpu.memory_space<hbm>>
    %dma_wait3A_192 = tpu.memref_slice %arg8[%dma_wait3A_185] : memref<4x!tpu.dma_semaphore, #tpu.memory_space<semaphore_mem>> -> memref<1x!tpu.dma_semaphore, #tpu.memory_space<semaphore_mem>>
    %dma_wait3A_193 = tpu.memref_squeeze %dma_wait3A_192 : memref<1x!tpu.dma_semaphore, #tpu.memory_space<semaphore_mem>> -> memref<!tpu.dma_semaphore, #tpu.memory_space<semaphore_mem>>
    %dma_wait3A_194 = arith.constant 0 : i32
    %dma_wait3A_195 = tpu.memref_slice %arg4[%add3A_183, %dma_wait3A_194] : memref<819200x64xf32, #tpu.memory_space<hbm>> -> memref<256x64xf32, #tpu.memory_space<hbm>>
    %dma_wait3A_196 = arith.constant 0 : i32
    %dma_wait3A_197 = arith.constant 0 : i32
    %dma_wait3A_198 = tpu.memref_slice %arg6[%dma_wait3A_184, %dma_wait3A_196, %dma_wait3A_197] : memref<4x256x64xf32, #tpu.memory_space<vmem>> -> memref<1x256x64xf32, #tpu.memory_space<vmem>>
    %dma_wait3A_199 = tpu.memref_squeeze %dma_wait3A_198 : memref<1x256x64xf32, #tpu.memory_space<vmem>> -> memref<256x64xf32, #tpu.memory_space<vmem>>
    tpu.wait_dma2 semaphore(%dma_wait3A_193 : memref<!tpu.dma_semaphore, #tpu.memory_space<semaphore_mem>>) src(%dma_wait3A_199 : memref<256x64xf32, #tpu.memory_space<vmem>>) dst(%dma_wait3A_195 : memref<256x64xf32, #tpu.memory_space<hbm>>)
    %add3A_200 = arith.constant 24832 : i32
    %add3A_201 = arith.addi %mul3A_2, %add3A_200 : i32
    %dma_wait3A_202 = arith.constant 1 : i32
    %dma_wait3A_203 = arith.constant 1 : i32
    %dma_wait3A_204 = arith.constant 0 : i32
    %dma_wait3A_205 = arith.constant 0 : i32
    %dma_wait3A_206 = tpu.memref_slice %arg6[%dma_wait3A_202, %dma_wait3A_204, %dma_wait3A_205] : memref<4x256x64xf32, #tpu.memory_space<vmem>> -> memref<1x256x64xf32, #tpu.memory_space<vmem>>
    %dma_wait3A_207 = tpu.memref_squeeze %dma_wait3A_206 : memref<1x256x64xf32, #tpu.memory_space<vmem>> -> memref<256x64xf32, #tpu.memory_space<vmem>>
    %dma_wait3A_208 = arith.constant 0 : i32
    %dma_wait3A_209 = tpu.memref_slice %arg4[%add3A_201, %dma_wait3A_208] : memref<819200x64xf32, #tpu.memory_space<hbm>> -> memref<256x64xf32, #tpu.memory_space<hbm>>
    %dma_wait3A_210 = tpu.memref_slice %arg8[%dma_wait3A_203] : memref<4x!tpu.dma_semaphore, #tpu.memory_space<semaphore_mem>> -> memref<1x!tpu.dma_semaphore, #tpu.memory_space<semaphore_mem>>
    %dma_wait3A_211 = tpu.memref_squeeze %dma_wait3A_210 : memref<1x!tpu.dma_semaphore, #tpu.memory_space<semaphore_mem>> -> memref<!tpu.dma_semaphore, #tpu.memory_space<semaphore_mem>>
    %dma_wait3A_212 = arith.constant 0 : i32
    %dma_wait3A_213 = tpu.memref_slice %arg4[%add3A_201, %dma_wait3A_212] : memref<819200x64xf32, #tpu.memory_space<hbm>> -> memref<256x64xf32, #tpu.memory_space<hbm>>
    %dma_wait3A_214 = arith.constant 0 : i32
    %dma_wait3A_215 = arith.constant 0 : i32
    %dma_wait3A_216 = tpu.memref_slice %arg6[%dma_wait3A_202, %dma_wait3A_214, %dma_wait3A_215] : memref<4x256x64xf32, #tpu.memory_space<vmem>> -> memref<1x256x64xf32, #tpu.memory_space<vmem>>
    %dma_wait3A_217 = tpu.memref_squeeze %dma_wait3A_216 : memref<1x256x64xf32, #tpu.memory_space<vmem>> -> memref<256x64xf32, #tpu.memory_space<vmem>>
    tpu.wait_dma2 semaphore(%dma_wait3A_211 : memref<!tpu.dma_semaphore, #tpu.memory_space<semaphore_mem>>) src(%dma_wait3A_217 : memref<256x64xf32, #tpu.memory_space<vmem>>) dst(%dma_wait3A_213 : memref<256x64xf32, #tpu.memory_space<hbm>>)
    %add3A_218 = arith.constant 25088 : i32
    %add3A_219 = arith.addi %mul3A_2, %add3A_218 : i32
    %dma_wait3A_220 = arith.constant 2 : i32
    %dma_wait3A_221 = arith.constant 2 : i32
    %dma_wait3A_222 = arith.constant 0 : i32
    %dma_wait3A_223 = arith.constant 0 : i32
    %dma_wait3A_224 = tpu.memref_slice %arg6[%dma_wait3A_220, %dma_wait3A_222, %dma_wait3A_223] : memref<4x256x64xf32, #tpu.memory_space<vmem>> -> memref<1x256x64xf32, #tpu.memory_space<vmem>>
    %dma_wait3A_225 = tpu.memref_squeeze %dma_wait3A_224 : memref<1x256x64xf32, #tpu.memory_space<vmem>> -> memref<256x64xf32, #tpu.memory_space<vmem>>
    %dma_wait3A_226 = arith.constant 0 : i32
    %dma_wait3A_227 = tpu.memref_slice %arg4[%add3A_219, %dma_wait3A_226] : memref<819200x64xf32, #tpu.memory_space<hbm>> -> memref<256x64xf32, #tpu.memory_space<hbm>>
    %dma_wait3A_228 = tpu.memref_slice %arg8[%dma_wait3A_221] : memref<4x!tpu.dma_semaphore, #tpu.memory_space<semaphore_mem>> -> memref<1x!tpu.dma_semaphore, #tpu.memory_space<semaphore_mem>>
    %dma_wait3A_229 = tpu.memref_squeeze %dma_wait3A_228 : memref<1x!tpu.dma_semaphore, #tpu.memory_space<semaphore_mem>> -> memref<!tpu.dma_semaphore, #tpu.memory_space<semaphore_mem>>
    %dma_wait3A_230 = arith.constant 0 : i32
    %dma_wait3A_231 = tpu.memref_slice %arg4[%add3A_219, %dma_wait3A_230] : memref<819200x64xf32, #tpu.memory_space<hbm>> -> memref<256x64xf32, #tpu.memory_space<hbm>>
    %dma_wait3A_232 = arith.constant 0 : i32
    %dma_wait3A_233 = arith.constant 0 : i32
    %dma_wait3A_234 = tpu.memref_slice %arg6[%dma_wait3A_220, %dma_wait3A_232, %dma_wait3A_233] : memref<4x256x64xf32, #tpu.memory_space<vmem>> -> memref<1x256x64xf32, #tpu.memory_space<vmem>>
    %dma_wait3A_235 = tpu.memref_squeeze %dma_wait3A_234 : memref<1x256x64xf32, #tpu.memory_space<vmem>> -> memref<256x64xf32, #tpu.memory_space<vmem>>
    tpu.wait_dma2 semaphore(%dma_wait3A_229 : memref<!tpu.dma_semaphore, #tpu.memory_space<semaphore_mem>>) src(%dma_wait3A_235 : memref<256x64xf32, #tpu.memory_space<vmem>>) dst(%dma_wait3A_231 : memref<256x64xf32, #tpu.memory_space<hbm>>)
    %add3A_236 = arith.constant 25344 : i32
    %add3A_237 = arith.addi %mul3A_2, %add3A_236 : i32
    %dma_wait3A_238 = arith.constant 3 : i32
    %dma_wait3A_239 = arith.constant 3 : i32
    %dma_wait3A_240 = arith.constant 0 : i32
    %dma_wait3A_241 = arith.constant 0 : i32
    %dma_wait3A_242 = tpu.memref_slice %arg6[%dma_wait3A_238, %dma_wait3A_240, %dma_wait3A_241] : memref<4x256x64xf32, #tpu.memory_space<vmem>> -> memref<1x256x64xf32, #tpu.memory_space<vmem>>
    %dma_wait3A_243 = tpu.memref_squeeze %dma_wait3A_242 : memref<1x256x64xf32, #tpu.memory_space<vmem>> -> memref<256x64xf32, #tpu.memory_space<vmem>>
    %dma_wait3A_244 = arith.constant 0 : i32
    %dma_wait3A_245 = tpu.memref_slice %arg4[%add3A_237, %dma_wait3A_244] : memref<819200x64xf32, #tpu.memory_space<hbm>> -> memref<256x64xf32, #tpu.memory_space<hbm>>
    %dma_wait3A_246 = tpu.memref_slice %arg8[%dma_wait3A_239] : memref<4x!tpu.dma_semaphore, #tpu.memory_space<semaphore_mem>> -> memref<1x!tpu.dma_semaphore, #tpu.memory_space<semaphore_mem>>
    %dma_wait3A_247 = tpu.memref_squeeze %dma_wait3A_246 : memref<1x!tpu.dma_semaphore, #tpu.memory_space<semaphore_mem>> -> memref<!tpu.dma_semaphore, #tpu.memory_space<semaphore_mem>>
    %dma_wait3A_248 = arith.constant 0 : i32
    %dma_wait3A_249 = tpu.memref_slice %arg4[%add3A_237, %dma_wait3A_248] : memref<819200x64xf32, #tpu.memory_space<hbm>> -> memref<256x64xf32, #tpu.memory_space<hbm>>
    %dma_wait3A_250 = arith.constant 0 : i32
    %dma_wait3A_251 = arith.constant 0 : i32
    %dma_wait3A_252 = tpu.memref_slice %arg6[%dma_wait3A_238, %dma_wait3A_250, %dma_wait3A_251] : memref<4x256x64xf32, #tpu.memory_space<vmem>> -> memref<1x256x64xf32, #tpu.memory_space<vmem>>
    %dma_wait3A_253 = tpu.memref_squeeze %dma_wait3A_252 : memref<1x256x64xf32, #tpu.memory_space<vmem>> -> memref<256x64xf32, #tpu.memory_space<vmem>>
    tpu.wait_dma2 semaphore(%dma_wait3A_247 : memref<!tpu.dma_semaphore, #tpu.memory_space<semaphore_mem>>) src(%dma_wait3A_253 : memref<256x64xf32, #tpu.memory_space<vmem>>) dst(%dma_wait3A_249 : memref<256x64xf32, #tpu.memory_space<hbm>>)
    return
  }
}

</mosaic_0001>

<sc_bundles>
// kernel: _gather_rows.3.cloned.1.call-start
scs
__scs_entry_jumppad:
0x0: {  	(pc) =	sbr.rel $0x88, $3  }
0x1: {  	(tag) =	ssettag $0x0;
	lr =	simm.s32 $0x1  }
0x2: {  	[smem:$0x3F9F] =	sst lr;
	_ =	strace $0xD0000000  }
0x3: {  	_ = 	snop  }
0x4: {  	_ = 	snop  }
0x5: {  	_ = 	snop  }
0x6: {  	_ = 	snop  }
0x7: {  	_ = 	snop  }
__scs_overlays_trampoline_lowered:
0x8: {  	[smem:$0x3FAE] =	sst s0  }
0x9: {  	[smem:$0x3FAF] =	sst s1  }
0xa: {  	[smem:$0x3FB0] =	sst s2  }
0xb: {  	[smem:$0x3FB1] =	sst s3  }
0xc: {  	[smem:$0x3FB2] =	sst s4  }
0xd: {  	[smem:$0x3FB3] =	sst s5  }
0xe: {  	[smem:$0x3FB4] =	sst s6  }
0xf: {  	[smem:$0x3FB5] =	sst s7  }
0x10: {  	[smem:$0x3FB6] =	sst s8  }
0x11: {  	[smem:$0x3FB7] =	sst s9;
	s0 =	simm.s32 @!p0 $0x0  }
0x12: {  	s1 =	sld [smem:$0x3F9D];
	s0 =	simm.s32 @p0 $0x1  }
0x13: {  	[smem:$0x3FB8] =	sst s0;
	s0 =	simm.s32 @!p1 $0x0  }
0x14: {  	s2 =	sld [smem:$0x3F9C];
	s0 =	simm.s32 @p1 $0x1  }
0x15: {  	[smem:$0x3FB9] =	sst s0;
	s0 =	simm.s32 @!p2 $0x0  }
0x16: {  	s3 =	sld [smem:$0x3FDB];
	s0 =	simm.s32 @p2 $0x1  }
0x17: {  	s4 =	simm.s32 $0x1BF5;
	[smem:$0x3FBB] =	sst s0  }
0x18: {  	s0 =	sld [smem:$0x3F9E];
	_ =	swait.ge [sflag:s4], $0x0  }
0x19: {  	s7 =	sld [smem:$0x3F9F]  }
0x1a: {  	s8 =	sadd.s32 $0xFFFFE003, lr  }
0x1b: {  	s9 =	sadd.s32 $0xFFFFFEF7, lr;
	s5 =	simm.s32 $0xFFFFFFFF;
	p2 =	slt.u32 s8, $0xFFFFF086  }
0x1c: {  	p1 =	slt.u32 s9, $0xF7A;
	s5 =	simm.s32 @!p2 $0x0  }
0x1d: {  	s5 =	simm.s32 @p1 $0x1;
	p0 =	seq.s32 s7, s2  }
0x1e: {  	s7 =	smul.u32 @!p0 $0xF7A, s2;
	p2 =	seq.s32 @!p0 s5, $0x0  }
0x1f: {  	s9 =	smul.u32 $0xF7A, s1;
	s8 =	simm.s32 @!p0 $0x1BF5;
	p2 =	por !p2, p0  }
0x20: {  	[sflag:s8] =	ssyncset.s32 @!p0 $0xFFFFF086;
	s6 =	sadd.s32 @!p0 s3, s7;
	s7 =	simm.s32 @!p0 $0x108  }
0x21: {  	s3 =	sadd.s32 s3, s9;
	s6 =	sadd.s32 @!p0 $0x88, s6;
	s7 =	simm.s32 @p2 $0x1082  }
0x22: {  	[simem:s7], [sflag:s8] =	dma.local @!p0 [hbm:s6], $0xF7A  }
0x23: {  	s9 =	sor.u32 $0xD0000000, s2;
	s6 =	simm.s32 $0x108;
	_ =	swait.ge @!p0 [sflag:s8], $0x0  }
0x24: {  	s3 =	sadd.s32 $0x88, s3;
	s6 =	simm.s32 @!p1 $0x1082;
	[sflag:s4] =	ssyncset.s32 $0xFFFFF086  }
0x25: {  	[simem:s6], [sflag:s4] =	dma.local [hbm:s3], $0xF7A  }
0x26: {  	[smem:$0x3F9F] =	sst s1;
	(tag) =	ssettag s2;
	_ =	strace s9  }
0x27: {  	s1 =	sld [smem:$0x3FAF]  }
0x28: {  	s2 =	sld [smem:$0x3FB0]  }
0x29: {  	s4 =	sld [smem:$0x3FB2]  }
0x2a: {  	p0 =	seq.s32 s5, $0x0;
	s5 =	sld [smem:$0x3FB3]  }
0x2b: {  	s6 =	sld [smem:$0x3FB4]  }
0x2c: {  	s7 =	sld [smem:$0x3FB5]  }
0x2d: {  	s3 =	simm.s32 $0x108;
	s8 =	sld [smem:$0x3FB6]  }
0x2e: {  	s3 =	simm.s32 @!p0 $0x1082;
	s9 =	sld [smem:$0x3FB7]  }
0x2f: {  	lr =	sadd.s32 s0, s3;
	s0 =	sld [smem:$0x3FAE]  }
0x30: {  	s3 =	sld [smem:$0x3FB1]  }
0x31: {  	[smem:$0x3FBA] =	sst s10  }
0x32: {  	s10 =	sld [smem:$0x3FB8];
	_ =	sdelay $0x3  }
0x33: {  	p0 =	seq.s32 s10, $0x1;
	s10 =	sld [smem:$0x3FBA];
	_ =	sdelay $0x3  }
0x34: {  	[smem:$0x3FBA] =	sst s10  }
0x35: {  	s10 =	sld [smem:$0x3FB9];
	_ =	sdelay $0x3  }
0x36: {  	p1 =	seq.s32 s10, $0x1;
	s10 =	sld [smem:$0x3FBA];
	_ =	sdelay $0x3  }
0x37: {  	[smem:$0x3FBA] =	sst s10  }
0x38: {  	s10 =	sld [smem:$0x3FBB]  }
0x39: {  	_ = 	snop;
	(pc) =	sbr.ind lr, $3  }
0x3a: {  	_ = 	snop  }
0x3b: {  	_ = 	snop  }
0x3c: {  	p2 =	seq.s32 s10, $0x1;
	s10 =	sld [smem:$0x3FBA]  }
0x3d: {  	_ =	shalt  }
0x3e: {  	_ =	shalt  }
0x3f: {  	_ =	shalt  }
0x40: {  	_ =	shalt  }
0x41: {  	_ =	shalt  }
0x42: {  	_ =	shalt  }
0x43: {  	_ =	shalt  }
0x44: {  	_ =	shalt  }
0x45: {  	_ =	shalt  }
0x46: {  	_ =	shalt  }
0x47: {  	_ =	shalt  }
0x48: {  	_ =	shalt  }
0x49: {  	_ =	shalt  }
0x4a: {  	_ =	shalt  }
0x4b: {  	_ =	shalt  }
0x4c: {  	_ =	shalt  }
0x4d: {  	_ =	shalt  }
0x4e: {  	_ =	shalt  }
0x4f: {  	_ =	shalt  }
0x50: {  	_ =	shalt  }
0x51: {  	_ =	shalt  }
0x52: {  	_ =	shalt  }
0x53: {  	_ =	shalt  }
0x54: {  	_ =	shalt  }
0x55: {  	_ =	shalt  }
0x56: {  	_ =	shalt  }
0x57: {  	_ =	shalt  }
0x58: {  	_ =	shalt  }
0x59: {  	_ =	shalt  }
0x5a: {  	_ =	shalt  }
0x5b: {  	_ =	shalt  }
0x5c: {  	_ =	shalt  }
0x5d: {  	_ =	shalt  }
0x5e: {  	_ =	shalt  }
0x5f: {  	_ =	shalt  }
0x60: {  	_ =	shalt  }
0x61: {  	_ =	shalt  }
0x62: {  	_ =	shalt  }
0x63: {  	_ =	shalt  }
0x64: {  	_ =	shalt  }
0x65: {  	_ =	shalt  }
0x66: {  	_ =	shalt  }
0x67: {  	_ =	shalt  }
0x68: {  	_ =	shalt  }
0x69: {  	_ =	shalt  }
0x6a: {  	_ =	shalt  }
0x6b: {  	_ =	shalt  }
0x6c: {  	_ =	shalt  }
0x6d: {  	_ =	shalt  }
0x6e: {  	_ =	shalt  }
0x6f: {  	_ =	shalt  }
0x70: {  	_ =	shalt  }
0x71: {  	_ =	shalt  }
0x72: {  	_ =	shalt  }
0x73: {  	_ =	shalt  }
0x74: {  	_ =	shalt  }
0x75: {  	_ =	shalt  }
0x76: {  	_ =	shalt  }
0x77: {  	_ =	shalt  }
0x78: {  	_ =	shalt  }
0x79: {  	_ =	shalt  }
0x7a: {  	_ =	shalt  }
0x7b: {  	_ =	shalt  }
0x7c: {  	_ =	shalt  }
0x7d: {  	_ =	shalt  }
0x7e: {  	_ =	shalt  }
0x7f: {  	_ =	shalt  }
0x80: {  	_ =	shalt  }
0x81: {  	_ =	shalt  }
0x82: {  	_ =	shalt  }
0x83: {  	_ =	shalt  }
0x84: {  	_ =	shalt  }
0x85: {  	_ =	shalt  }
0x86: {  	_ =	shalt  }
0x87: {  	_ =	shalt  }
.Lfunc_end0:
.L_simem_size_0:
called_computation.1_lowered:
.L_overlay_start_0:
0x88: {  	s2 =	sld [smem:$0x3FD9]  }
0x89: {  	s3 =	sld [smem:$0x3FFE];
	_ =	sdelay $0x1  }
0x8a: {  	s1 =	srdreg.scid  }
0x8b: {  	s0 =	sand.u32 $0x1, s1  }
0x8c: {  	s17 =	sshll.u32 s0, $0xA;
	s2 =	sadd.s32 s3, s2  }
0x8d: {  	s2 =	sadd.s32 s2, s17  }
0x8e: {  	[smem:$0x3FC6] =	sst s2  }
0x8f: {  	_ = 	snop  }
0x90: {  	s2 =	sld [smem:$0x3FC9]  }
0x91: {  	s18 =	sld [smem:$0x3FD0];
	(tm) =	ssettm $0x1  }
0x92: {  	s4 =	sld [smem:$0x3FFB];
	_ =	sdelay $0x3  }
0x93: {  	_ =	strace s4  }
0x94: {  	s4 =	sld [smem:$0x3FFC];
	_ =	sdelay $0x3  }
0x95: {  	_ =	strace s4  }
0x96: {  	s4 =	sld [smem:$0x3FFD];
	_ =	sdelay $0x3  }
0x97: {  	_ =	strace s4  }
0x98: {  	_ =	strace $0x8FFFFFFF  }
0x99: {  	s19 =	sld [smem:$0x3FDB];
	_ =	sdelay $0x1  }
0x9a: {  	s5 =	simm.s32 $_scs_section_size  }
0x9b: {  	s6 =	simm.s32 $_size__tile_overlayer_lowered;
	s7 =	simm.s32 $_tile_overlayer_lowered  }
0x9c: {  	s22 =	simm.s32 $0x1BFF;
	s21 =	sshll.u32 s7, $0x1;
	s4 =	sadd.s32 s5, s19  }
0x9d: {  	s8 =	simm.s32 $0x0;
	s20 =	sshll.u32 s6, $0x1;
	s6 =	sadd.s32 s21, s4  }
0x9e: {  	[timem:s8], [sflag:s22] =	dma.local [hbm:s6], s20  }
0x9f: {  	_ =	swait.ge [sflag:s22], s20  }
0xa0: {  	s5 =	ssub.s32 $0x0, s20;
	[sflag:s22] =	ssyncset.done $0x0  }
0xa1: {  	[sflag:s22] =	ssyncadd.s32 s5;
	_ =	sdelay $0x1  }
0xa2: {  	s23 =	simm.s32 $0x1B8B  }
0xa3: {  	_ =	swait.ge [sflag:s23], $0x1  }
0xa4: {  	[sflag:s23] =	ssyncset.done $0x0  }
0xa5: {  	s25 =	simm.s32 $0x1B8E;
	s24 =	sld [smem:$0x3FFE];
	[sflag:s23] =	ssyncadd.s32 $0xFFFFFFFF  }
0xa6: {  	s26 =	simm.s32 $execute0_lowered;
	[smem:$0x3FD2] =	sst s25  }
0xa7: {  	s6 =	sshll.u32 s26, $0x1;
	_ =	strace $0x80000046;
	[dreg:$0x1] =	wrdreg $0xFFFFFFFF  }
0xa8: {  	s28 =	simm.s32 $_size_execute0_lowered;
	s4 =	sadd.s32 s4, s6;
	[dreg:$0x0] =	wrdreg $0x0  }
0xa9: {  	s6 =	sshll.u32 s28, $0x1;
	[dreg:$0x2] =	wrdreg s4  }
0xaa: {  	[dreg:$0x3] =	wrdreg s6  }
0xab: {  	[dreg:$0x4] =	wrdreg $0xC0  }
0xac: {  	_ =	task [dreg:s8], $0x5FFFF  }
0xad: {  	[dreg:$0x1] =	wrdreg $0xFFFFFFFF  }
0xae: {  	[dreg:$0x0] =	wrdreg $0x60  }
0xaf: {  	[dreg:$0x2] =	wrdreg s2  }
0xb0: {  	[dreg:$0x3] =	wrdreg s24  }
0xb1: {  	[dreg:$0x4] =	wrdreg s18  }
0xb2: {  	[dreg:$0x5] =	wrdreg $0x9  }
0xb3: {  	_ =	task.clear_ibuf [dreg:s8], $0x6FFFF;
	_ =	strace $0x90000046  }
0xb4: {  	s29 =	simm.s32 $0x9;
	_ =	strace $0x80000048  }
0xb5: {  	_ =	swait.ge [sflag:s29], $0x1  }
0xb6: {  	[sflag:s29] =	ssyncadd.s32 $0xFFFFFFFF  }
0xb7: {  	_ =	strace $0x90000048  }
0xb8: {  	_ =	sfence  }
0xb9: {  	s30 =	sld [smem:$0x0];
	_ =	sdelay $0x2  }
0xba: {  	s31 =	sshll.u32 s1, $0xD;
	s1 =	sshrl.u32 s1, $0x2  }
0xbb: {  	s3 =	sand.u32 $0x4000, s31;
	s1 =	sadd.s32 s1, s30  }
0xbc: {  	s0 =	sor.u32 s3, s0;
	s1 =	sshll.u32 s1, $0x11  }
0xbd: {  	s0 =	sor.u32 s1, s0  }
0xbe: {  	s0 =	sadd.s32 $0x8F2B, s0  }
0xbf: {  	[sflag:s0] =	ssyncadd.remote.s32 $0x1  }
0xc0: {  	_ =	sfence.sel $0xFFFF  }
0xc1: {  	[dreg:$0x0] =	wrdreg $0xFFFFFFFF;
	(pc) =	sbr.abs _section_cstart, $3  }
0xc2: {  	[dreg:$0x1] =	wrdreg $0xFFFFFFFF  }
0xc3: {  	_ =	task.clear_ibuf [dreg:s8], $0x2FFFF;
	_ =	strace $0x9FFFFFFF  }
0xc4: {  	(tm) =	ssettm $0x7FFFFFFF  }
0xc5: {  	_ =	shalt  }
tec
execute0_lowered:
.L_overlay_start_1:
0x0: {  	(tag) =	ssettag $0x1  }
0x1: {  	s0 =	rddreg [dreg:$0x0]  }
0x2: {  	s1 =	rddreg [dreg:$0x1]  }
0x3: {  	s2 =	srdreg.scid;
	s8 =	stileid.u32  }
0x4: {  	s10 =	rddreg [dreg:$0x2];
	s14 =	simm.s32 $0x9;
	s15 =	simm.s32 $0x100  }
0x5: {  	s16 =	simm.s32 $0x6400;
	s17 =	simm.s32 $0xA400;
	s19 =	simm.s32 $0xE400  }
0x6: {  	s21 =	simm.s32 $0x12400;
	s28 =	simm.s32 $0x6;
	s9 =	smul.u32 $0x320000, s8  }
0x7: {  	s6 =	sand.u32 $0x1, s2;
	s3 =	sshll.u32 s8, $0x1;
	s8 =	smul.u32 $0xC800, s8  }
0x8: {  	s29 =	simm.s32 $0x7;
	s30 =	simm.s32 $0x8;
	s12 =	smul.u32 $0x6400, s6  }
0x9: {  	s31 =	simm.s32 $0x0;
	s3 =	sor.u32 s6, s3;
	s24 =	smul.u32 $0x190000, s6  }
0xa: {  	s2 =	simm.s32 $0x0;
	s5 =	ssub.s32 $0x2, s6;
	s4 =	smul.u32 $0x6400, s3  }
0xb: {  	[smem:$0x7FF] =	sst s2;
	s7 =	smul.u32 $0x190000, s3;
	s22 =	sshrl.u32 s5, $0x1  }
0xc: {  	_ =	strace $0x80000047;
	s3 =	sadd.s32 $0xF42C00, s1;
	s1 =	ssub.s32 s5, s22  }
0xd: {  	s12 =	sadd.s32 s12, s8;
	s22 =	simm.s32 $0x1;
	s23 =	sshrl.u32 s7, $0x3  }
0xe: {  	s4 =	sshrl.u32 s4, $0x3;
	s25 =	sshll.u32 s12, $0x3;
	s11 =	sadd.s32 s10, s23  }
0xf: {  	s0 =	sadd.s32 s0, s4;
	s26 =	sadd.s32 s25, s10;
	s23 =	simm.s32 $0x2  }
0x10: {  	s25 =	simm.s32 $0x4;
	[dreg:$0x4] =	wrdreg s0;
	s5 =	sadd.s32 $0x30000, s11  }
0x11: {  	s6 =	sadd.s32 $0x30800, s11;
	s7 =	sadd.s32 $0x31000, s11;
	s8 =	sadd.s32 $0x31800, s11  }
0x12: {  	s0 =	sadd.s32 s24, s9;
	s9 =	smax.u32 s1, $0x1;
	s11 =	sadd.s32 $0x1800, s26  }
0x13: {  	s12 =	sadd.s32 $0x1000, s26;
	s13 =	sadd.s32 $0x800, s26;
	s0 =	sshrl.u32 s0, $0x3  }
0x14: {  	s24 =	simm.s32 $0x3;
	s26 =	simm.s32 $0x5;
	s10 =	sadd.s32 s0, s10  }
.LBB2_1:
0x15: {  	s0 =	rddreg [dreg:$0x4]  }
0x16: {  	[tilespmem:s2], [sflag:$0x9] =	stream.linear.gather [hbm4b:s0+s2], $0x6400, $0x38;
	[tilespmem:$0x16400] =	vst v63  }
0x17: {  	_ =	swait.ge [sflag:s14], $0x6400  }
0x18: {  	[sflag:s14] =	ssyncset.done $0x0  }
0x19: {  	[sflag:s14] =	ssyncadd.s32 $0xFFFF9C00  }
0x1a: {  	[tilespmem:s16], [sflag:$0x1] =	stream.indirect.gather [hbm4b:s3+s15], $0x40, s2, s15, $0xb8;
	[tilespmem:$0x16400] =	vst v63  }
0x1b: {  	_ = 	snop  }
0x1c: {  	[tilespmem:s17], [sflag:$0x2] =	stream.indirect.gather [hbm4b:s3+s15], $0x40, s15, s15, $0xb8;
	[tilespmem:$0x16400] =	vst v63  }
0x1d: {  	s20 =	simm.s32 $0x200  }
0x1e: {  	[tilespmem:s19], [sflag:$0x3] =	stream.indirect.gather [hbm4b:s3+s15], $0x40, s20, s15, $0xb8;
	[tilespmem:$0x16400] =	vst v63  }
0x1f: {  	s1 =	simm.s32 $0x300  }
0x20: {  	[tilespmem:s21], [sflag:$0x4] =	stream.indirect.gather [hbm4b:s3+s15], $0x40, s1, s15, $0xb8;
	[tilespmem:$0x16400] =	vst v63  }
0x21: {  	_ =	swait.ge [sflag:s22], $0x4000  }
0x22: {  	[sflag:s22] =	ssyncset.done $0x0  }
0x23: {  	s4 =	sadd.s32 $0x0, s10;
	[sflag:s22] =	ssyncadd.s32 $0xFFFFC000  }
0x24: {  	[hbm4b:s4+s2] =	stream.linear.scatter [tilespmem:s16], [sflag:$0x5], $0x4000, $0x38;
	[tilespmem:$0x16400] =	vst v63  }
0x25: {  	_ =	swait.ge [sflag:s23], $0x4000  }
0x26: {  	[sflag:s23] =	ssyncset.done $0x0  }
0x27: {  	s18 =	sadd.s32 $0x0, s13;
	[sflag:s23] =	ssyncadd.s32 $0xFFFFC000  }
0x28: {  	[hbm4b:s18+s2] =	stream.linear.scatter [tilespmem:s17], [sflag:$0x6], $0x4000, $0x38;
	[tilespmem:$0x16400] =	vst v63  }
0x29: {  	_ =	swait.ge [sflag:s24], $0x4000  }
0x2a: {  	[sflag:s24] =	ssyncset.done $0x0  }
0x2b: {  	s20 =	sadd.s32 $0x0, s12;
	[sflag:s24] =	ssyncadd.s32 $0xFFFFC000  }
0x2c: {  	[hbm4b:s20+s2] =	stream.linear.scatter [tilespmem:s19], [sflag:$0x7], $0x4000, $0x38;
	[tilespmem:$0x16400] =	vst v63  }
0x2d: {  	_ =	swait.ge [sflag:s25], $0x4000  }
0x2e: {  	[sflag:s25] =	ssyncset.done $0x0  }
0x2f: {  	s1 =	sadd.s32 $0x0, s11;
	[sflag:s25] =	ssyncadd.s32 $0xFFFFC000  }
0x30: {  	[hbm4b:s1+s2] =	stream.linear.scatter [tilespmem:s21], [sflag:$0x8], $0x4000, $0x38;
	[tilespmem:$0x16400] =	vst v63  }
0x31: {  	_ =	swait.ge [sflag:s26], $0x4000  }
0x32: {  	[sflag:s26] =	ssyncset.done $0x0  }
0x33: {  	s4 =	simm.s32 $0x400;
	[sflag:s26] =	ssyncadd.s32 $0xFFFFC000  }
0x34: {  	[tilespmem:s16], [sflag:$0x1] =	stream.indirect.gather [hbm4b:s3+s15], $0x40, s4, s15, $0xb8;
	[tilespmem:$0x16400] =	vst v63  }
0x35: {  	_ =	swait.ge [sflag:s28], $0x4000  }
0x36: {  	[sflag:s28] =	ssyncset.done $0x0  }
0x37: {  	s18 =	simm.s32 $0x500;
	[sflag:s28] =	ssyncadd.s32 $0xFFFFC000  }
0x38: {  	[tilespmem:s17], [sflag:$0x2] =	stream.indirect.gather [hbm4b:s3+s15], $0x40, s18, s15, $0xb8;
	[tilespmem:$0x16400] =	vst v63  }
0x39: {  	_ =	swait.ge [sflag:s29], $0x4000  }
0x3a: {  	[sflag:s29] =	ssyncset.done $0x0  }
0x3b: {  	s20 =	simm.s32 $0x600;
	[sflag:s29] =	ssyncadd.s32 $0xFFFFC000  }
0x3c: {  	[tilespmem:s19], [sflag:$0x3] =	stream.indirect.gather [hbm4b:s3+s15], $0x40, s20, s15, $0xb8;
	[tilespmem:$0x16400] =	vst v63  }
0x3d: {  	_ =	swait.ge [sflag:s30], $0x4000  }
0x3e: {  	s0 =	simm.s32 $0x2000;
	[sflag:s30] =	ssyncset.done $0x0  }
0x3f: {  	s1 =	simm.s32 $0x700;
	s18 =	simm.s32 $0xB00;
	[sflag:s30] =	ssyncadd.s32 $0xFFFFC000  }
.LBB2_2:
0x40: {  	[tilespmem:s21], [sflag:$0x4] =	stream.indirect.gather [hbm4b:s3+s15], $0x40, s1, s15, $0xb8;
	[tilespmem:$0x16400] =	vst v63  }
0x41: {  	s20 =	smov.u32 s0;
	s1 =	smov.u32 s18  }
0x42: {  	p0 =	sne.s32 s0, $0x2E000;
	s0 =	sadd.s32 $0x2000, s0;
	_ =	swait.ge [sflag:s22], $0x4000  }
0x43: {  	[sflag:s22] =	ssyncset.done $0x0  }
0x44: {  	s4 =	sadd.s32 s20, s10;
	[sflag:s22] =	ssyncadd.s32 $0xFFFFC000  }
0x45: {  	[hbm4b:s4+s2] =	stream.linear.scatter [tilespmem:s16], [sflag:$0x5], $0x4000, $0x38;
	[tilespmem:$0x16400] =	vst v63  }
0x46: {  	_ =	swait.ge [sflag:s23], $0x4000  }
0x47: {  	[sflag:s23] =	ssyncset.done $0x0  }
0x48: {  	s4 =	sadd.s32 s20, s13;
	[sflag:s23] =	ssyncadd.s32 $0xFFFFC000  }
0x49: {  	[hbm4b:s4+s2] =	stream.linear.scatter [tilespmem:s17], [sflag:$0x6], $0x4000, $0x38;
	[tilespmem:$0x16400] =	vst v63  }
0x4a: {  	_ =	swait.ge [sflag:s24], $0x4000  }
0x4b: {  	[sflag:s24] =	ssyncset.done $0x0  }
0x4c: {  	s4 =	sadd.s32 s20, s12;
	[sflag:s24] =	ssyncadd.s32 $0xFFFFC000  }
0x4d: {  	[hbm4b:s4+s2] =	stream.linear.scatter [tilespmem:s19], [sflag:$0x7], $0x4000, $0x38;
	[tilespmem:$0x16400] =	vst v63  }
0x4e: {  	_ =	swait.ge [sflag:s25], $0x4000  }
0x4f: {  	[sflag:s25] =	ssyncset.done $0x0  }
0x50: {  	s4 =	sadd.s32 s20, s11;
	[sflag:s25] =	ssyncadd.s32 $0xFFFFC000  }
0x51: {  	[hbm4b:s4+s2] =	stream.linear.scatter [tilespmem:s21], [sflag:$0x8], $0x4000, $0x38;
	[tilespmem:$0x16400] =	vst v63  }
0x52: {  	_ =	swait.ge [sflag:s26], $0x4000  }
0x53: {  	[sflag:s26] =	ssyncset.done $0x0  }
0x54: {  	s4 =	sadd.s32 $0xFFFFFD00, s18;
	[sflag:s26] =	ssyncadd.s32 $0xFFFFC000  }
0x55: {  	[tilespmem:s16], [sflag:$0x1] =	stream.indirect.gather [hbm4b:s3+s15], $0x40, s4, s15, $0xb8;
	[tilespmem:$0x16400] =	vst v63  }
0x56: {  	_ =	swait.ge [sflag:s28], $0x4000  }
0x57: {  	[sflag:s28] =	ssyncset.done $0x0  }
0x58: {  	s4 =	sadd.s32 $0xFFFFFE00, s18;
	[sflag:s28] =	ssyncadd.s32 $0xFFFFC000  }
0x59: {  	[tilespmem:s17], [sflag:$0x2] =	stream.indirect.gather [hbm4b:s3+s15], $0x40, s4, s15, $0xb8;
	[tilespmem:$0x16400] =	vst v63  }
0x5a: {  	_ =	swait.ge [sflag:s29], $0x4000  }
0x5b: {  	[sflag:s29] =	ssyncset.done $0x0  }
.Ltmp0:
0x5c: {  	s4 =	sadd.s32 $0xFFFFFF00, s18;
	[sflag:s29] =	ssyncadd.s32 $0xFFFFC000;
	(pc) =	sbr.rel @p0 .LBB2_2-.Ltmp0, $4  }
0x5d: {  	[tilespmem:s19], [sflag:$0x3] =	stream.indirect.gather [hbm4b:s3+s15], $0x40, s4, s15, $0xb8;
	[tilespmem:$0x16400] =	vst v63  }
0x5e: {  	_ =	swait.ge [sflag:s30], $0x4000  }
0x5f: {  	[sflag:s30] =	ssyncset.done $0x0  }
0x60: {  	s18 =	sadd.s32 $0x400, s18;
	[sflag:s30] =	ssyncadd.s32 $0xFFFFC000  }
0x61: {  	[tilespmem:s21], [sflag:$0x4] =	stream.indirect.gather [hbm4b:s3+s15], $0x40, s1, s15, $0xb8;
	[tilespmem:$0x16400] =	vst v63  }
0x62: {  	_ =	swait.ge [sflag:s22], $0x4000  }
0x63: {  	[sflag:s22] =	ssyncset.done $0x0  }
0x64: {  	[sflag:s22] =	ssyncadd.s32 $0xFFFFC000  }
0x65: {  	[hbm4b:s5+s2] =	stream.linear.scatter [tilespmem:s16], [sflag:$0x5], $0x4000, $0x38;
	[tilespmem:$0x16400] =	vst v63  }
0x66: {  	_ =	swait.ge [sflag:s23], $0x4000  }
0x67: {  	[sflag:s23] =	ssyncset.done $0x0  }
0x68: {  	[sflag:s23] =	ssyncadd.s32 $0xFFFFC000  }
0x69: {  	[hbm4b:s6+s2] =	stream.linear.scatter [tilespmem:s17], [sflag:$0x6], $0x4000, $0x38;
	[tilespmem:$0x16400] =	vst v63  }
0x6a: {  	_ =	swait.ge [sflag:s24], $0x4000  }
0x6b: {  	[sflag:s24] =	ssyncset.done $0x0  }
0x6c: {  	[sflag:s24] =	ssyncadd.s32 $0xFFFFC000  }
0x6d: {  	[hbm4b:s7+s2] =	stream.linear.scatter [tilespmem:s19], [sflag:$0x7], $0x4000, $0x38;
	[tilespmem:$0x16400] =	vst v63  }
0x6e: {  	_ =	swait.ge [sflag:s25], $0x4000  }
0x6f: {  	[sflag:s25] =	ssyncset.done $0x0  }
0x70: {  	[sflag:s25] =	ssyncadd.s32 $0xFFFFC000  }
0x71: {  	[hbm4b:s8+s2] =	stream.linear.scatter [tilespmem:s21], [sflag:$0x8], $0x4000, $0x38;
	[tilespmem:$0x16400] =	vst v63  }
0x72: {  	_ =	swait.ge [sflag:s26], $0x4000  }
0x73: {  	[sflag:s26] =	ssyncset.done $0x0  }
0x74: {  	[sflag:s26] =	ssyncadd.s32 $0xFFFFC000  }
0x75: {  	_ =	swait.ge [sflag:s28], $0x4000  }
0x76: {  	[sflag:s28] =	ssyncset.done $0x0  }
0x77: {  	s31 =	sadd.s32 $0x1, s31;
	[sflag:s28] =	ssyncadd.s32 $0xFFFFC000  }
0x78: {  	p0 =	sne.s32 s31, s9;
	_ =	swait.ge [sflag:s29], $0x4000  }
.Ltmp1:
0x79: {  	[sflag:s29] =	ssyncset.done $0x0;
	(pc) =	sbr.rel @p0 .LBB2_1-.Ltmp1, $4  }
0x7a: {  	[sflag:s29] =	ssyncadd.s32 $0xFFFFC000  }
0x7b: {  	_ =	swait.ge [sflag:s30], $0x4000  }
0x7c: {  	[sflag:s30] =	ssyncset.done $0x0  }
0x7d: {  	[sflag:s30] =	ssyncadd.s32 $0xFFFFC000  }
0x7e: {  	_ =	sfence.sel $0x180000  }
0x7f: {  	[bflag:$0x0] =	sbarrier.arrive $0xFFFF  }
0x80: {  	_ =	strace $0x90000047  }
0x81: {  	s0 =	stileid.u32;
	[bflag:$0x2] =	sbarrier.arrive $0xFFFF  }
0x82: {  	p0 =	sne.s32 s0, $0x0;
	s0 =	rddreg [dreg:$0x3]  }
0x83: {  	s0 =	sadd.s32 @!p0 $0x100000, s0  }
0x84: {  	[sflag:s0] =	ssyncadd.tile.s32 @!p0 $0x1;
	_ =	shalt  }
.Lfunc_end2:
_tile_overlayer_lowered:
.L_overlay_start_2:
0x85: {  	(tag) =	ssettag $0x2  }
0x86: {  	s0 =	rddreg [dreg:$0x0];
	s2 =	stileid.u32  }
0x87: {  	s1 =	rddreg [dreg:$0x1];
	p0 =	sne.s32 s2, $0x0  }
0x88: {  	s3 =	rddreg [dreg:$0x2];
	[bflag:$0x3] =	sbarrier.arrive $0xFFFF;
	s2 =	simm.s32 @!p0 $0x1C09  }
0x89: {  	[timem:s3], [sflag:s2] =	dma.local @!p0 [hbm:s0], s1  }
0x8a: {  	s0 =	simm.s32 @!p0 $0x9  }
0x8b: {  	_ =	swait.ge @!p0 [sflag:s0], s1  }
0x8c: {  	s1 =	ssub.s32 @!p0 $0x0, s1;
	[sflag:s0] =	ssyncset.done @!p0 $0x0  }
0x8d: {  	[sflag:s0] =	ssyncadd.s32 @!p0 s1  }
0x8e: {  	[bflag:$0x3] =	sbarrier.arrive $0xFFFF  }
0x8f: {  	_ =	shalt  }

// kernel: sparse-core-data-format-call.cloned.1.call-start
scs
called_computation_lowered:
.L_overlay_start_0:
0x0: {  	s2 =	sld [smem:$0x3FD9]  }
0x1: {  	s3 =	sld [smem:$0x3FFE];
	_ =	sdelay $0x1  }
0x2: {  	s1 =	srdreg.scid  }
0x3: {  	s0 =	sand.u32 $0x1, s1  }
0x4: {  	s18 =	sshll.u32 s0, $0xA;
	s2 =	sadd.s32 s3, s2  }
0x5: {  	s2 =	sadd.s32 s2, s18  }
0x6: {  	[smem:$0x3FC6] =	sst s2  }
0x7: {  	_ = 	snop  }
0x8: {  	s2 =	sld [smem:$0x3FD0];
	(tm) =	ssettm $0x1  }
0x9: {  	s19 =	sld [smem:$0x3FFB];
	_ =	sdelay $0x3  }
0xa: {  	_ =	strace s19  }
0xb: {  	s3 =	sld [smem:$0x3FFC];
	_ =	sdelay $0x3  }
0xc: {  	_ =	strace s3  }
0xd: {  	s3 =	sld [smem:$0x3FFD];
	_ =	sdelay $0x3  }
0xe: {  	_ =	strace s3  }
0xf: {  	_ =	strace $0x8FFFFFFF  }
0x10: {  	s20 =	sld [smem:$0x3FDB];
	_ =	sdelay $0x1  }
0x11: {  	s4 =	simm.s32 $_scs_section_size  }
0x12: {  	s5 =	simm.s32 $_size__tile_overlayer_lowered;
	s6 =	simm.s32 $_tile_overlayer_lowered  }
0x13: {  	s23 =	simm.s32 $0x1BFF;
	s22 =	sshll.u32 s6, $0x1;
	s3 =	sadd.s32 s4, s20  }
0x14: {  	s7 =	simm.s32 $0x0;
	s21 =	sshll.u32 s5, $0x1;
	s5 =	sadd.s32 s22, s3  }
0x15: {  	[timem:s7], [sflag:s23] =	dma.local [hbm:s5], s21  }
0x16: {  	_ =	swait.ge [sflag:s23], s21  }
0x17: {  	s4 =	ssub.s32 $0x0, s21;
	[sflag:s23] =	ssyncset.done $0x0  }
0x18: {  	[sflag:s23] =	ssyncadd.s32 s4;
	_ =	sdelay $0x1  }
0x19: {  	s24 =	simm.s32 $0x1B8B  }
0x1a: {  	_ =	swait.ge [sflag:s24], $0x1  }
0x1b: {  	[sflag:s24] =	ssyncset.done $0x0  }
0x1c: {  	s26 =	simm.s32 $0x1B8E;
	s25 =	sld [smem:$0x3FFE];
	[sflag:s24] =	ssyncadd.s32 $0xFFFFFFFF  }
0x1d: {  	s27 =	simm.s32 $execute0_lowered;
	[smem:$0x3FD2] =	sst s26  }
0x1e: {  	s5 =	sshll.u32 s27, $0x1;
	_ =	strace $0x80000049;
	[dreg:$0x1] =	wrdreg $0xFFFFFFFF  }
0x1f: {  	s28 =	simm.s32 $_size_execute0_lowered;
	s3 =	sadd.s32 s3, s5;
	[dreg:$0x0] =	wrdreg $0x0  }
0x20: {  	s5 =	sshll.u32 s28, $0x1;
	[dreg:$0x2] =	wrdreg s3  }
0x21: {  	[dreg:$0x3] =	wrdreg s5  }
0x22: {  	[dreg:$0x4] =	wrdreg $0xC0  }
0x23: {  	_ =	task [dreg:s7], $0x5FFFF  }
0x24: {  	[dreg:$0x1] =	wrdreg $0xFFFFFFFF  }
0x25: {  	[dreg:$0x0] =	wrdreg $0x60  }
0x26: {  	[dreg:$0x2] =	wrdreg s25  }
0x27: {  	[dreg:$0x3] =	wrdreg s2  }
0x28: {  	[dreg:$0x4] =	wrdreg $0x9  }
0x29: {  	_ =	task.clear_ibuf [dreg:s7], $0x5FFFF;
	_ =	strace $0x90000049  }
0x2a: {  	s29 =	simm.s32 $0x9;
	_ =	strace $0x8000004B  }
0x2b: {  	_ =	swait.ge [sflag:s29], $0x1  }
0x2c: {  	[sflag:s29] =	ssyncadd.s32 $0xFFFFFFFF  }
0x2d: {  	_ =	strace $0x9000004B  }
0x2e: {  	_ =	sfence  }
0x2f: {  	s30 =	sld [smem:$0x0];
	_ =	sdelay $0x2  }
0x30: {  	s31 =	sshll.u32 s1, $0xD;
	s1 =	sshrl.u32 s1, $0x2  }
0x31: {  	s3 =	sand.u32 $0x4000, s31;
	s1 =	sadd.s32 s1, s30  }
0x32: {  	s0 =	sor.u32 s3, s0;
	s1 =	sshll.u32 s1, $0x11  }
0x33: {  	s0 =	sor.u32 s1, s0  }
0x34: {  	s0 =	sadd.s32 $0x8F2B, s0  }
0x35: {  	[sflag:s0] =	ssyncadd.remote.s32 $0x1  }
0x36: {  	_ =	sfence.sel $0xFFFF  }
0x37: {  	[dreg:$0x0] =	wrdreg $0xFFFFFFFF;
	(pc) =	sbr.abs _section_cstart, $3  }
0x38: {  	[dreg:$0x1] =	wrdreg $0xFFFFFFFF  }
0x39: {  	_ =	task.clear_ibuf [dreg:s7], $0x2FFFF;
	_ =	strace $0x9FFFFFFF  }
0x3a: {  	(tm) =	ssettm $0x7FFFFFFF  }
0x3b: {  	_ =	shalt  }
tec
execute0_lowered:
.L_overlay_start_1:
0x0: {  	(tag) =	ssettag $0x1  }
0x1: {  	s0 =	srdreg.scid  }
0x2: {  	s1 =	sshll.u32 s0, $0x4  }
0x3: {  	s4 =	rddreg [dreg:$0x0];
	s0 =	stileid.u32;
	s1 =	sand.u32 $0x10, s1  }
0x4: {  	s2 =	rddreg [dreg:$0x1];
	s7 =	simm.s32 $0x1;
	s1 =	sor.u32 s0, s1  }
0x5: {  	s8 =	simm.s32 $0x2;
	s11 =	simm.s32 $0x0;
	s3 =	sshll.u32 s1, $0x7  }
0x6: {  	s10 =	simm.s32 $0x0;
	s4 =	sadd.s32 $0x800, s4;
	s6 =	ssub.s32 $0xC8000, s3  }
.Ltmp0:
0x7: {  	s1 =	rddreg [dreg:$0x2];
	s5 =	sand.u32 $0xF80, s6;
	(pc) =	sbr.rel .LBB1_1-.Ltmp0, $4  }
0x8: {  	_ =	strace $0x8000004A;
	s9 =	smov.u32 s3;
	p0 =	sne.s32 s5, $0x0  }
0x9: {  	s6 =	sshrl.u32 s6, $0xC;
	s5 =	simm.s32 $0x1;
	s7 =	simm.s32 @!p0 $0x0  }
0xa: {  	[sflag:s5] =	ssyncpa.u1 $0x0;
	p0 =	por $0x0, $0x0;
	s6 =	sadd.s32 s7, s6  }
0xb: {  	[sflag:s8] =	ssyncpa.u1 $0x0;
	s8 =	simm.s32 $0x640000;
	s7 =	sadd.s32 $0x1, s6  }
.LBB1_4:
0xc: {  	s14 =	sshll.u32 s11, $0x3  }
0xd: {  	s30 =	sand.u32 $0x7F, s11;
	s15 =	sand.u32 $0xFFFFFC00, s14  }
0xe: {  	s11 =	sor.u32 s30, s15  }
0xf: {  	s15 =	smulhi.u32 $0x51EB851F, s11  }
0x10: {  	s14 =	smulhi.u32 $0x51EB851F, s14  }
0x11: {  	s15 =	sshrl.u32 s15, $0x12  }
0x12: {  	s14 =	sshrl.u32 s14, $0x12;
	s15 =	smul.u32 $0xC8000, s15  }
0x13: {  	s14 =	sand.u32 $0x3F, s14  }
0x14: {  	s14 =	smul.u32 $0x19000, s14;
	s11 =	ssub.s32 s11, s15  }
0x15: {  	[tilespmem:s13+$0x810 ss:$0x81] =	vst.msk $0xffff, v2;
	s15 =	sand.u32 $0x7, s11  }
0x16: {  	[tilespmem:s13+$0x1020 ss:$0x81] =	vst.msk $0xffff, v0;
	s14 =	sadd.s32 s2, s14;
	s11 =	sshrl.u32 s11, $0x3;
	s15 =	sshll.u32 s15, $0x12  }
0x17: {  	[tilespmem:s13+$0x0 ss:$0x81] =	vst.msk $0xffff, v1;
	s11 =	sadd.s32 s11, s14;
	s31 =	sor.u32 $0x400, s15  }
0x18: {  	[hbm4b:s11+s31] =	stream.strided.scatter [tilespmem:s12], [sflag:$0x2], $0x2000, s8, s31, $0x20;
	[tilespmem:$0x8080] =	vst v63  }
.LBB1_5:
0x19: {  	s13 =	sadd.s32 $0x1000, s9  }
0x1a: {  	p2 =	sgt.s32 s13, $0xC7FFF  }
0x1b: {  	s13 =	smov.u32 @p2 s3;
	p2 =	sne.s32 s10, s7  }
.Ltmp1:
0x1c: {  	p1 =	slt.u32 s10, $0x2;
	(pc) =	sbr.rel @!p2 .LBB1_6-.Ltmp1, $4  }
0x1d: {  	s12 =	simm.s32 @!p1 $0x2  }
0x1e: {  	s14 =	sadd.s32 $0x1, s10;
	_ =	swait.ge @!p1 [sflag:s12], $0x2000  }
0x1f: {  	s11 =	smov.u32 s9;
	p0 =	por !p0, !p0;
	[sflag:s12] =	ssyncset.done @!p1 $0x0  }
0x20: {  	s10 =	smov.u32 s14;
	s9 =	smov.u32 s13;
	[sflag:s12] =	ssyncadd.s32 @!p1 $0xFFFFE000  }
.LBB1_1:
0x21: {  	p1 =	sge.u32 s10, s6  }
0x22: {  	s12 =	sand.u32 @!p1 $0x1FFFFFF, s9  }
0x23: {  	s13 =	smulhi.u32 @!p1 $0x147AE15, s12;
	_ =	sdelay $0x1  }
0x24: {  	s13 =	sshrl.u32 @!p1 s13, $0xC  }
0x25: {  	s13 =	smul.u32 @!p1 $0xC8000, s13;
	_ =	sdelay $0x1  }
0x26: {  	s31 =	sadd.s32 $0xFFFFFFFF, s10;
	s14 =	sxor.u32 @!p1 $0xFFFFFFFF, s10;
	s12 =	ssub.s32 @!p1 s12, s13  }
0x27: {  	s15 =	simm.s32 @!p1 $0x80;
	s14 =	sshll.u32 @!p1 s14, $0xD;
	s12 =	sshll.u32 @!p1 s12, $0x4  }
0x28: {  	s13 =	sand.u32 @!p1 $0x2000, s14;
	s14 =	simm.s32 @!p1 $0x40;
	s12 =	sadd.s32 @!p1 s4, s12  }
0x29: {  	[tilespmem:s13], [sflag:$0x1] =	stream.strided.gather @!p1 [hbm4b:s12+s14], $0x2000, s15, s14, $0x38;
	[tilespmem:$0x8080] =	vst v63  }
0x2a: {  	p1 =	sge.u32 s31, s6  }
.Ltmp2:
0x2b: {  	_ = 	snop;
	(pc) =	sbr.rel @p1 .LBB1_5-.Ltmp2, $1  }
0x2c: {  	_ =	sdelay $0x3  }
0x2d: {  	s12 =	simm.s32 $0x1  }
0x2e: {  	_ =	swait.ge [sflag:s5], $0x2000;
	s12 =	simm.s32 @!p0 $0x0  }
0x2f: {  	[sflag:s5] =	ssyncset.done $0x0;
	s13 =	sshll.u32 s12, $0xD  }
0x30: {  	[sflag:s5] =	ssyncadd.s32 $0xFFFFE000;
	s16 =	sor.u32 $0x20, s13  }
0x31: {  	s12 =	smul.u32 $0x8100, s12;
	v3 =	vld [tilespmem:s16+$0x10]  }
0x32: {  	s30 =	sand.u32 $0x1, s10;
	v2 =	vld [tilespmem:s16+$0xFFFFFFF0]  }
0x33: {  	s13 =	smul.u32 $0x8100, s30;
	s12 =	sshrl.u32 s12, $0x2;
	v0 =	vld [tilespmem:s16+$0x0]  }
0x34: {  	v1 =	vld [tilespmem:s16+$0xFFFFFFE0];
	s14 =	sor.u32 $0x4000, s12  }
0x35: {  	s31 =	sshrl.u32 s13, $0x2;
	s13 =	sadd.s32 $0x0, s14  }
0x36: {  	s15 =	simm.s32 $0x4;
	s16 =	sadd.s32 $0x40, s16;
	s12 =	sor.u32 $0x4000, s31;
	[tilespmem:s13+$0x1830 ss:$0x81] =	vst.msk $0xffff, v3  }
.LBB1_3:
0x37: {  	v3 =	vld [tilespmem:s16+$0x10];
	p1 =	sne.s32 s15, $0x1FC;
	[tilespmem:s13+$0x810 ss:$0x81] =	vst.msk $0xffff, v2;
	s17 =	smov.u32 s15;
	s15 =	sadd.s32 $0x4, s15  }
.Ltmp3:
0x38: {  	v2 =	vld [tilespmem:s16+$0xFFFFFFF0];
	[tilespmem:s13+$0x1020 ss:$0x81] =	vst.msk $0xffff, v0;
	(pc) =	sbr.rel @p1 .LBB1_3-.Ltmp3, $4  }
0x39: {  	v0 =	vld [tilespmem:s16+$0x0];
	[tilespmem:s13+$0x0 ss:$0x81] =	vst.msk $0xffff, v1  }
0x3a: {  	s13 =	sshra.s32 s17, $0x2;
	v1 =	vld [tilespmem:s16+$0xFFFFFFE0]  }
0x3b: {  	s13 =	sadd.s32 s13, s14  }
0x3c: {  	s16 =	sadd.s32 $0x40, s16;
	[tilespmem:s13+$0x1830 ss:$0x81] =	vst.msk $0xffff, v3  }
.Ltmp4:
0x3d: {  	_ = 	snop;
	(pc) =	sbr.rel .LBB1_4-.Ltmp4, $1  }
0x3e: {  	_ =	sdelay $0x3  }
.LBB1_6:
0x3f: {  	_ =	sfence.sel $0x180000  }
0x40: {  	s2 =	simm.s32 $0x1;
	[bflag:$0x0] =	sbarrier.arrive $0xFFFF  }
0x41: {  	s31 =	simm.s32 $0x2;
	[sflag:s2] =	ssyncpa.u1 $0x1  }
0x42: {  	[sflag:s31] =	ssyncpa.u1 $0x1  }
0x43: {  	p0 =	sne.s32 s0, $0x0;
	_ =	strace $0x9000004A  }
0x44: {  	s0 =	sadd.s32 @!p0 $0x100000, s1;
	[bflag:$0x2] =	sbarrier.arrive $0xFFFF  }
0x45: {  	[sflag:s0] =	ssyncadd.tile.s32 @!p0 $0x1;
	_ =	shalt  }
.Lfunc_end1:
_tile_overlayer_lowered:
.L_overlay_start_2:
0x46: {  	(tag) =	ssettag $0x2  }
0x47: {  	s0 =	rddreg [dreg:$0x0];
	s2 =	stileid.u32  }
0x48: {  	s1 =	rddreg [dreg:$0x1];
	p0 =	sne.s32 s2, $0x0  }
0x49: {  	s3 =	rddreg [dreg:$0x2];
	[bflag:$0x3] =	sbarrier.arrive $0xFFFF;
	s2 =	simm.s32 @!p0 $0x1C01  }
0x4a: {  	[timem:s3], [sflag:s2] =	dma.local @!p0 [hbm:s0], s1  }
0x4b: {  	s0 =	simm.s32 @!p0 $0x1  }
0x4c: {  	_ =	swait.ge @!p0 [sflag:s0], s1  }
0x4d: {  	s1 =	ssub.s32 @!p0 $0x0, s1;
	[sflag:s0] =	ssyncset.done @!p0 $0x0  }
0x4e: {  	[sflag:s0] =	ssyncadd.s32 @!p0 s1  }
0x4f: {  	[bflag:$0x3] =	sbarrier.arrive $0xFFFF  }
0x50: {  	_ =	shalt  }

</sc_bundles>
